<compile_context>
chip_gen: v7x
topology: tpu7x:2x2x1
jax: 0.10.2.dev20260603
libtpu: 0.0.44.dev20260713+nightly
codegen_flags: <defaults>
</compile_context>

<pallas_src>
import functools

import jax
import jax.numpy as jnp
from jax import lax
from jax.experimental import pallas as pl
from jax.experimental.pallas import tpu as pltpu
from jax.experimental.pallas import tpu_sc as plsc

NC = 2
NS = 16
L = 16
IDX_BLK = 128


def _tc_table_matvec(emb_table, W):
    V, E = emb_table.shape
    BLK = 8000

    def body(tbl_ref, w_ref, out_ref):
        out_ref[...] = lax.dot_general(
            tbl_ref[...], w_ref[...],
            dimension_numbers=(((1,), (1,)), ((), ())),
            preferred_element_type=jnp.float32,
        )

    out = pl.pallas_call(
        body,
        grid=(V // BLK,),
        in_specs=[
            pl.BlockSpec((BLK, E), lambda i: (i, 0)),
            pl.BlockSpec((1, E), lambda i: (0, 0)),
        ],
        out_specs=pl.BlockSpec((BLK, 1), lambda i: (i, 0)),
        out_shape=jax.ShapeDtypeStruct((V, 1), jnp.float32),
    )(emb_table, W)
    return out.reshape(V)


def _sc_pool_head(x_perm, tw, bv, B, T):
    NW = NC * NS
    RPW = B // NW
    CB = L
    CHUNK_IDX = CB * T
    NBLK = CHUNK_IDX // IDX_BLK
    NCHUNK = RPW // CB

    mesh = plsc.VectorSubcoreMesh(core_axis_name="c", subcore_axis_name="s")

    @functools.partial(
        pl.kernel,
        out_type=jax.ShapeDtypeStruct((B,), jnp.float32),
        mesh=mesh,
        scratch_types=[
            pltpu.VMEM((CHUNK_IDX,), jnp.int32),
            pltpu.VMEM((CHUNK_IDX,), jnp.float32),
            pltpu.VMEM((L,), jnp.float32),
            pltpu.VMEM((RPW,), jnp.float32),
            pltpu.SemaphoreType.DMA,
        ],
    )
    def sc_kernel(x_hbm, tw_hbm, b_hbm, out_hbm,
                  idx_v, val_v, b_v, out_v, sem):
        wid = lax.axis_index("s") * NC + lax.axis_index("c")
        pltpu.sync_copy(b_hbm, b_v)
        bvec = b_v[...]
        xoff0 = wid * (RPW * T)

        def chunk_body(g, carry):
            pltpu.sync_copy(x_hbm.at[pl.ds(xoff0 + g * CHUNK_IDX, CHUNK_IDX)],
                            idx_v)
            handles = [
                pltpu.async_copy(
                    tw_hbm.at[idx_v.at[pl.ds(j * IDX_BLK, IDX_BLK)]],
                    val_v.at[pl.ds(j * IDX_BLK, IDX_BLK)],
                    sem,
                )
                for j in range(NBLK)
            ]
            for h in handles:
                h.wait()

            def acc_body(i, accs):
                a0, a1, a2, a3 = accs
                t = i * (8 * L)
                a0 = a0 + val_v[pl.ds(t + 0 * L, L)] + val_v[pl.ds(t + 4 * L, L)]
                a1 = a1 + val_v[pl.ds(t + 1 * L, L)] + val_v[pl.ds(t + 5 * L, L)]
                a2 = a2 + val_v[pl.ds(t + 2 * L, L)] + val_v[pl.ds(t + 6 * L, L)]
                a3 = a3 + val_v[pl.ds(t + 3 * L, L)] + val_v[pl.ds(t + 7 * L, L)]
                return (a0, a1, a2, a3)

            z = jnp.zeros((L,), jnp.float32)
            a0, a1, a2, a3 = lax.fori_loop(0, T // 8, acc_body, (z, z, z, z))
            res = (a0 + a1) + (a2 + a3)
            y = res * (1.0 / T) + bvec
            sgm = 1.0 / (1.0 + jnp.exp(-y))
            scaled = sgm * 10000.0
            rnd = (scaled + 8388608.0) - 8388608.0
            out_v[pl.ds(g * CB, CB)] = rnd / 10000.0
            return carry

        lax.fori_loop(0, NCHUNK, chunk_body, 0)
        pltpu.sync_copy(out_v, out_hbm.at[pl.ds(wid * RPW, RPW)])

    return sc_kernel(x_perm, tw, bv)


def kernel(x, emb_table, W, b):
    B, T = x.shape
    tw = _tc_table_matvec(emb_table.astype(jnp.float32), W.astype(jnp.float32))
    x_perm = (x.astype(jnp.int32)
              .reshape(B // L, L, T)
              .transpose(0, 2, 1)
              .reshape(B * T))
    bv = jnp.broadcast_to(b.reshape(1), (L,)).astype(jnp.float32)
    out = _sc_pool_head(x_perm, tw, bv, B, T)
    return out.reshape(B, 1)

# --- scband reference (transcript-rebuilt; emitter-appended) ---
"""Pipeline reference for scband-solution-32865089749318 (READ-ONLY COPY).

The authoritative reference and input builder live on the scoring server;
editing this copy changes nothing except your own understanding.
"""

import jax, jax.numpy as jnp
import numpy as np

VOCAB = 1000000
EMB = 16
B = 16384
T = 200

def setup_inputs(seed: int = 0) -> dict:
    key = jax.random.key(seed)
    k1, k2, k3, k4 = jax.random.split(key, 4)
    x = jax.random.randint(k1, (B, T), 0, VOCAB, dtype=jnp.int64 if jax.config.jax_enable_x64 else jnp.int32)
    emb_table = jax.random.normal(k2, (VOCAB, EMB), dtype=jnp.float32)
    W = jax.random.normal(k3, (1, EMB), dtype=jnp.float32) * 0.1
    b = jax.random.normal(k4, (1,), dtype=jnp.float32) * 0.1
    return {"x": x, "emb_table": emb_table, "W": W, "b": b}

def reference(x, emb_table, W, b):
    # embedding lookup (gather)
    embedding_output = jnp.take(emb_table, x, axis=0)  # [B, T, EMB]
    averaging_output = jnp.mean(embedding_output, axis=1)  # [B, EMB]
    linear_output = averaging_output @ W.T + b  # [B, 1]
    activate_sigmoid = jax.nn.sigmoid(linear_output)
    return jnp.round(activate_sigmoid, decimals=4)

if __name__ == "__main__":
    import jax
    _d = setup_inputs()
    print(jax.jit(kernel)(*tuple(_d.values())))

</pallas_src>

<mosaic_0001>
#map = affine_map<(d0, d1) -> (0)>
module attributes {stable_mosaic.version = 14 : i64} {
  func.func @sc_kernel(%arg0: i32, %arg1: i32, %arg2: memref<3276800xi32, #tpu.memory_space<hbm>>, %arg3: memref<1000000xf32, #tpu.memory_space<hbm>>, %arg4: memref<16xf32, #tpu.memory_space<hbm>>, %arg5: memref<16384xf32, #tpu.memory_space<hbm>>, %arg6: memref<3200xi32, #tpu.memory_space<vmem>>, %arg7: memref<3200xf32, #tpu.memory_space<vmem>>, %arg8: memref<16xf32, #tpu.memory_space<vmem>>, %arg9: memref<512xf32, #tpu.memory_space<vmem>>, %arg10: memref<!tpu.dma_semaphore, #tpu.memory_space<semaphore_mem>>) attributes {dimension_semantics = [#tpu.dimension_semantics<core_parallel>, #tpu.dimension_semantics<subcore_parallel>], iteration_bounds = array<i64: 2, 16>, scalar_prefetch = 0 : i64, scratch_operands = 5 : i64, tpu.core_type = #tpu.core_type<sc_vector_subcore>, window_params = [{transform_indices = #map}, {transform_indices = #map}, {transform_indices = #map}, {transform_indices = #map}]} {
    %mul3A = arith.constant 2 : i32
    %mul3A_0 = arith.muli %arg1, %mul3A : i32
    %add3A = arith.addi %mul3A_0, %arg0 : i32
    "tpu.region"() ({
      %run_scoped3A = tpu.sem_alloc : memref<!tpu.dma_semaphore, #tpu.memory_space<semaphore_mem>>
      tpu.enqueue_dma source(%arg4 : memref<16xf32, #tpu.memory_space<hbm>>) target(%arg8 : memref<16xf32, #tpu.memory_space<vmem>>) target_semaphore(%run_scoped3A : memref<!tpu.dma_semaphore, #tpu.memory_space<semaphore_mem>>)
      tpu.wait_dma2 semaphore(%run_scoped3A : memref<!tpu.dma_semaphore, #tpu.memory_space<semaphore_mem>>) src(%arg4 : memref<16xf32, #tpu.memory_space<hbm>>) dst(%arg8 : memref<16xf32, #tpu.memory_space<vmem>>)
      tpu.yield
    }) : () -> ()
    %get3A = arith.constant 0 : index
    %get3A_1 = tpu.vector_load %arg8[%get3A] {strides = array<i32>} : memref<16xf32, #tpu.memory_space<vmem>>, vector<16xf32>,
    %get3A_2 = vector.shape_cast %get3A_1 : vector<16xf32> to vector<16xf32>
    %mul3A_3 = arith.constant 102400 : i32
    %mul3A_4 = arith.muli %add3A, %mul3A_3 : i32
    %scan3A = arith.constant 0 : i32
    %scan3A_5 = arith.constant 0 : i32
    %scan3A_6 = arith.constant 32 : i32
    %scan3A_7 = arith.addi %scan3A_5, %scan3A_6 : i32
    %scan3A_8 = arith.constant 1 : i32
    scf.for %scan3A_12 = %scan3A_5 to %scan3A_7 step %scan3A_8  : i32 {
      %mul3A_13 = arith.constant 3200 : i32
      %mul3A_14 = arith.muli %scan3A_12, %mul3A_13 : i32
      %add3A_15 = arith.addi %mul3A_4, %mul3A_14 : i32
      "tpu.region"() ({
        %run_scoped3A = tpu.sem_alloc : memref<!tpu.dma_semaphore, #tpu.memory_space<semaphore_mem>>
        %dma_start3A_351 = tpu.memref_slice %arg2[%add3A_15] : memref<3276800xi32, #tpu.memory_space<hbm>> -> memref<3200xi32, #tpu.memory_space<hbm>>
        %dma_start3A_352 = tpu.memref_slice %arg2[%add3A_15] : memref<3276800xi32, #tpu.memory_space<hbm>> -> memref<3200xi32, #tpu.memory_space<hbm>>
        tpu.enqueue_dma source(%dma_start3A_352 : memref<3200xi32, #tpu.memory_space<hbm>>) target(%arg6 : memref<3200xi32, #tpu.memory_space<vmem>>) target_semaphore(%run_scoped3A : memref<!tpu.dma_semaphore, #tpu.memory_space<semaphore_mem>>)
        %dma_wait3A_353 = tpu.memref_slice %arg2[%add3A_15] : memref<3276800xi32, #tpu.memory_space<hbm>> -> memref<3200xi32, #tpu.memory_space<hbm>>
        %dma_wait3A_354 = tpu.memref_slice %arg2[%add3A_15] : memref<3276800xi32, #tpu.memory_space<hbm>> -> memref<3200xi32, #tpu.memory_space<hbm>>
        tpu.wait_dma2 semaphore(%run_scoped3A : memref<!tpu.dma_semaphore, #tpu.memory_space<semaphore_mem>>) src(%dma_wait3A_354 : memref<3200xi32, #tpu.memory_space<hbm>>) dst(%arg6 : memref<3200xi32, #tpu.memory_space<vmem>>)
        tpu.yield
      }) : () -> ()
      %dma_start3A = arith.constant 0 : i32
      %dma_start3A_16 = tpu.memref_slice %arg7[%dma_start3A] : memref<3200xf32, #tpu.memory_space<vmem>> -> memref<128xf32, #tpu.memory_space<vmem>>
      %dma_start3A_17 = arith.constant 0 : i32
      %dma_start3A_18 = tpu.memref_slice %arg6[%dma_start3A_17] : memref<3200xi32, #tpu.memory_space<vmem>> -> memref<128xi32, #tpu.memory_space<vmem>>
      %dma_start3A_19 = arith.constant 0 : i32
      %dma_start3A_20 = tpu.memref_slice %arg3[%dma_start3A_19] : memref<1000000xf32, #tpu.memory_space<hbm>> -> memref<1000000xf32, #tpu.memory_space<hbm>>
      tpu.enqueue_indirect_dma source(%dma_start3A_20 : memref<1000000xf32, #tpu.memory_space<hbm>>) target(%dma_start3A_16 : memref<128xf32, #tpu.memory_space<vmem>>) offsets(%dma_start3A_18 : memref<128xi32, #tpu.memory_space<vmem>>) semaphore(%arg10 : memref<!tpu.dma_semaphore, #tpu.memory_space<semaphore_mem>>)
      %dma_start3A_21 = arith.constant 128 : i32
      %dma_start3A_22 = tpu.memref_slice %arg7[%dma_start3A_21] : memref<3200xf32, #tpu.memory_space<vmem>> -> memref<128xf32, #tpu.memory_space<vmem>>
      %dma_start3A_23 = arith.constant 128 : i32
      %dma_start3A_24 = tpu.memref_slice %arg6[%dma_start3A_23] : memref<3200xi32, #tpu.memory_space<vmem>> -> memref<128xi32, #tpu.memory_space<vmem>>
      %dma_start3A_25 = arith.constant 0 : i32
      %dma_start3A_26 = tpu.memref_slice %arg3[%dma_start3A_25] : memref<1000000xf32, #tpu.memory_space<hbm>> -> memref<1000000xf32, #tpu.memory_space<hbm>>
      tpu.enqueue_indirect_dma source(%dma_start3A_26 : memref<1000000xf32, #tpu.memory_space<hbm>>) target(%dma_start3A_22 : memref<128xf32, #tpu.memory_space<vmem>>) offsets(%dma_start3A_24 : memref<128xi32, #tpu.memory_space<vmem>>) semaphore(%arg10 : memref<!tpu.dma_semaphore, #tpu.memory_space<semaphore_mem>>)
      %dma_start3A_27 = arith.constant 256 : i32
      %dma_start3A_28 = tpu.memref_slice %arg7[%dma_start3A_27] : memref<3200xf32, #tpu.memory_space<vmem>> -> memref<128xf32, #tpu.memory_space<vmem>>
      %dma_start3A_29 = arith.constant 256 : i32
      %dma_start3A_30 = tpu.memref_slice %arg6[%dma_start3A_29] : memref<3200xi32, #tpu.memory_space<vmem>> -> memref<128xi32, #tpu.memory_space<vmem>>
      %dma_start3A_31 = arith.constant 0 : i32
      %dma_start3A_32 = tpu.memref_slice %arg3[%dma_start3A_31] : memref<1000000xf32, #tpu.memory_space<hbm>> -> memref<1000000xf32, #tpu.memory_space<hbm>>
      tpu.enqueue_indirect_dma source(%dma_start3A_32 : memref<1000000xf32, #tpu.memory_space<hbm>>) target(%dma_start3A_28 : memref<128xf32, #tpu.memory_space<vmem>>) offsets(%dma_start3A_30 : memref<128xi32, #tpu.memory_space<vmem>>) semaphore(%arg10 : memref<!tpu.dma_semaphore, #tpu.memory_space<semaphore_mem>>)
      %dma_start3A_33 = arith.constant 384 : i32
      %dma_start3A_34 = tpu.memref_slice %arg7[%dma_start3A_33] : memref<3200xf32, #tpu.memory_space<vmem>> -> memref<128xf32, #tpu.memory_space<vmem>>
      %dma_start3A_35 = arith.constant 384 : i32
      %dma_start3A_36 = tpu.memref_slice %arg6[%dma_start3A_35] : memref<3200xi32, #tpu.memory_space<vmem>> -> memref<128xi32, #tpu.memory_space<vmem>>
      %dma_start3A_37 = arith.constant 0 : i32
      %dma_start3A_38 = tpu.memref_slice %arg3[%dma_start3A_37] : memref<1000000xf32, #tpu.memory_space<hbm>> -> memref<1000000xf32, #tpu.memory_space<hbm>>
      tpu.enqueue_indirect_dma source(%dma_start3A_38 : memref<1000000xf32, #tpu.memory_space<hbm>>) target(%dma_start3A_34 : memref<128xf32, #tpu.memory_space<vmem>>) offsets(%dma_start3A_36 : memref<128xi32, #tpu.memory_space<vmem>>) semaphore(%arg10 : memref<!tpu.dma_semaphore, #tpu.memory_space<semaphore_mem>>)
      %dma_start3A_39 = arith.constant 512 : i32
      %dma_start3A_40 = tpu.memref_slice %arg7[%dma_start3A_39] : memref<3200xf32, #tpu.memory_space<vmem>> -> memref<128xf32, #tpu.memory_space<vmem>>
      %dma_start3A_41 = arith.constant 512 : i32
      %dma_start3A_42 = tpu.memref_slice %arg6[%dma_start3A_41] : memref<3200xi32, #tpu.memory_space<vmem>> -> memref<128xi32, #tpu.memory_space<vmem>>
      %dma_start3A_43 = arith.constant 0 : i32
      %dma_start3A_44 = tpu.memref_slice %arg3[%dma_start3A_43] : memref<1000000xf32, #tpu.memory_space<hbm>> -> memref<1000000xf32, #tpu.memory_space<hbm>>
      tpu.enqueue_indirect_dma source(%dma_start3A_44 : memref<1000000xf32, #tpu.memory_space<hbm>>) target(%dma_start3A_40 : memref<128xf32, #tpu.memory_space<vmem>>) offsets(%dma_start3A_42 : memref<128xi32, #tpu.memory_space<vmem>>) semaphore(%arg10 : memref<!tpu.dma_semaphore, #tpu.memory_space<semaphore_mem>>)
      %dma_start3A_45 = arith.constant 640 : i32
      %dma_start3A_46 = tpu.memref_slice %arg7[%dma_start3A_45] : memref<3200xf32, #tpu.memory_space<vmem>> -> memref<128xf32, #tpu.memory_space<vmem>>
      %dma_start3A_47 = arith.constant 640 : i32
      %dma_start3A_48 = tpu.memref_slice %arg6[%dma_start3A_47] : memref<3200xi32, #tpu.memory_space<vmem>> -> memref<128xi32, #tpu.memory_space<vmem>>
      %dma_start3A_49 = arith.constant 0 : i32
      %dma_start3A_50 = tpu.memref_slice %arg3[%dma_start3A_49] : memref<1000000xf32, #tpu.memory_space<hbm>> -> memref<1000000xf32, #tpu.memory_space<hbm>>
      tpu.enqueue_indirect_dma source(%dma_start3A_50 : memref<1000000xf32, #tpu.memory_space<hbm>>) target(%dma_start3A_46 : memref<128xf32, #tpu.memory_space<vmem>>) offsets(%dma_start3A_48 : memref<128xi32, #tpu.memory_space<vmem>>) semaphore(%arg10 : memref<!tpu.dma_semaphore, #tpu.memory_space<semaphore_mem>>)
      %dma_start3A_51 = arith.constant 768 : i32
      %dma_start3A_52 = tpu.memref_slice %arg7[%dma_start3A_51] : memref<3200xf32, #tpu.memory_space<vmem>> -> memref<128xf32, #tpu.memory_space<vmem>>
      %dma_start3A_53 = arith.constant 768 : i32
      %dma_start3A_54 = tpu.memref_slice %arg6[%dma_start3A_53] : memref<3200xi32, #tpu.memory_space<vmem>> -> memref<128xi32, #tpu.memory_space<vmem>>
      %dma_start3A_55 = arith.constant 0 : i32
      %dma_start3A_56 = tpu.memref_slice %arg3[%dma_start3A_55] : memref<1000000xf32, #tpu.memory_space<hbm>> -> memref<1000000xf32, #tpu.memory_space<hbm>>
      tpu.enqueue_indirect_dma source(%dma_start3A_56 : memref<1000000xf32, #tpu.memory_space<hbm>>) target(%dma_start3A_52 : memref<128xf32, #tpu.memory_space<vmem>>) offsets(%dma_start3A_54 : memref<128xi32, #tpu.memory_space<vmem>>) semaphore(%arg10 : memref<!tpu.dma_semaphore, #tpu.memory_space<semaphore_mem>>)
      %dma_start3A_57 = arith.constant 896 : i32
      %dma_start3A_58 = tpu.memref_slice %arg7[%dma_start3A_57] : memref<3200xf32, #tpu.memory_space<vmem>> -> memref<128xf32, #tpu.memory_space<vmem>>
      %dma_start3A_59 = arith.constant 896 : i32
      %dma_start3A_60 = tpu.memref_slice %arg6[%dma_start3A_59] : memref<3200xi32, #tpu.memory_space<vmem>> -> memref<128xi32, #tpu.memory_space<vmem>>
      %dma_start3A_61 = arith.constant 0 : i32
      %dma_start3A_62 = tpu.memref_slice %arg3[%dma_start3A_61] : memref<1000000xf32, #tpu.memory_space<hbm>> -> memref<1000000xf32, #tpu.memory_space<hbm>>
      tpu.enqueue_indirect_dma source(%dma_start3A_62 : memref<1000000xf32, #tpu.memory_space<hbm>>) target(%dma_start3A_58 : memref<128xf32, #tpu.memory_space<vmem>>) offsets(%dma_start3A_60 : memref<128xi32, #tpu.memory_space<vmem>>) semaphore(%arg10 : memref<!tpu.dma_semaphore, #tpu.memory_space<semaphore_mem>>)
      %dma_start3A_63 = arith.constant 1024 : i32
      %dma_start3A_64 = tpu.memref_slice %arg7[%dma_start3A_63] : memref<3200xf32, #tpu.memory_space<vmem>> -> memref<128xf32, #tpu.memory_space<vmem>>
      %dma_start3A_65 = arith.constant 1024 : i32
      %dma_start3A_66 = tpu.memref_slice %arg6[%dma_start3A_65] : memref<3200xi32, #tpu.memory_space<vmem>> -> memref<128xi32, #tpu.memory_space<vmem>>
      %dma_start3A_67 = arith.constant 0 : i32
      %dma_start3A_68 = tpu.memref_slice %arg3[%dma_start3A_67] : memref<1000000xf32, #tpu.memory_space<hbm>> -> memref<1000000xf32, #tpu.memory_space<hbm>>
      tpu.enqueue_indirect_dma source(%dma_start3A_68 : memref<1000000xf32, #tpu.memory_space<hbm>>) target(%dma_start3A_64 : memref<128xf32, #tpu.memory_space<vmem>>) offsets(%dma_start3A_66 : memref<128xi32, #tpu.memory_space<vmem>>) semaphore(%arg10 : memref<!tpu.dma_semaphore, #tpu.memory_space<semaphore_mem>>)
      %dma_start3A_69 = arith.constant 1152 : i32
      %dma_start3A_70 = tpu.memref_slice %arg7[%dma_start3A_69] : memref<3200xf32, #tpu.memory_space<vmem>> -> memref<128xf32, #tpu.memory_space<vmem>>
      %dma_start3A_71 = arith.constant 1152 : i32
      %dma_start3A_72 = tpu.memref_slice %arg6[%dma_start3A_71] : memref<3200xi32, #tpu.memory_space<vmem>> -> memref<128xi32, #tpu.memory_space<vmem>>
      %dma_start3A_73 = arith.constant 0 : i32
      %dma_start3A_74 = tpu.memref_slice %arg3[%dma_start3A_73] : memref<1000000xf32, #tpu.memory_space<hbm>> -> memref<1000000xf32, #tpu.memory_space<hbm>>
      tpu.enqueue_indirect_dma source(%dma_start3A_74 : memref<1000000xf32, #tpu.memory_space<hbm>>) target(%dma_start3A_70 : memref<128xf32, #tpu.memory_space<vmem>>) offsets(%dma_start3A_72 : memref<128xi32, #tpu.memory_space<vmem>>) semaphore(%arg10 : memref<!tpu.dma_semaphore, #tpu.memory_space<semaphore_mem>>)
      %dma_start3A_75 = arith.constant 1280 : i32
      %dma_start3A_76 = tpu.memref_slice %arg7[%dma_start3A_75] : memref<3200xf32, #tpu.memory_space<vmem>> -> memref<128xf32, #tpu.memory_space<vmem>>
      %dma_start3A_77 = arith.constant 1280 : i32
      %dma_start3A_78 = tpu.memref_slice %arg6[%dma_start3A_77] : memref<3200xi32, #tpu.memory_space<vmem>> -> memref<128xi32, #tpu.memory_space<vmem>>
      %dma_start3A_79 = arith.constant 0 : i32
      %dma_start3A_80 = tpu.memref_slice %arg3[%dma_start3A_79] : memref<1000000xf32, #tpu.memory_space<hbm>> -> memref<1000000xf32, #tpu.memory_space<hbm>>
      tpu.enqueue_indirect_dma source(%dma_start3A_80 : memref<1000000xf32, #tpu.memory_space<hbm>>) target(%dma_start3A_76 : memref<128xf32, #tpu.memory_space<vmem>>) offsets(%dma_start3A_78 : memref<128xi32, #tpu.memory_space<vmem>>) semaphore(%arg10 : memref<!tpu.dma_semaphore, #tpu.memory_space<semaphore_mem>>)
      %dma_start3A_81 = arith.constant 1408 : i32
      %dma_start3A_82 = tpu.memref_slice %arg7[%dma_start3A_81] : memref<3200xf32, #tpu.memory_space<vmem>> -> memref<128xf32, #tpu.memory_space<vmem>>
      %dma_start3A_83 = arith.constant 1408 : i32
      %dma_start3A_84 = tpu.memref_slice %arg6[%dma_start3A_83] : memref<3200xi32, #tpu.memory_space<vmem>> -> memref<128xi32, #tpu.memory_space<vmem>>
      %dma_start3A_85 = arith.constant 0 : i32
      %dma_start3A_86 = tpu.memref_slice %arg3[%dma_start3A_85] : memref<1000000xf32, #tpu.memory_space<hbm>> -> memref<1000000xf32, #tpu.memory_space<hbm>>
      tpu.enqueue_indirect_dma source(%dma_start3A_86 : memref<1000000xf32, #tpu.memory_space<hbm>>) target(%dma_start3A_82 : memref<128xf32, #tpu.memory_space<vmem>>) offsets(%dma_start3A_84 : memref<128xi32, #tpu.memory_space<vmem>>) semaphore(%arg10 : memref<!tpu.dma_semaphore, #tpu.memory_space<semaphore_mem>>)
      %dma_start3A_87 = arith.constant 1536 : i32
      %dma_start3A_88 = tpu.memref_slice %arg7[%dma_start3A_87] : memref<3200xf32, #tpu.memory_space<vmem>> -> memref<128xf32, #tpu.memory_space<vmem>>
      %dma_start3A_89 = arith.constant 1536 : i32
      %dma_start3A_90 = tpu.memref_slice %arg6[%dma_start3A_89] : memref<3200xi32, #tpu.memory_space<vmem>> -> memref<128xi32, #tpu.memory_space<vmem>>
      %dma_start3A_91 = arith.constant 0 : i32
      %dma_start3A_92 = tpu.memref_slice %arg3[%dma_start3A_91] : memref<1000000xf32, #tpu.memory_space<hbm>> -> memref<1000000xf32, #tpu.memory_space<hbm>>
      tpu.enqueue_indirect_dma source(%dma_start3A_92 : memref<1000000xf32, #tpu.memory_space<hbm>>) target(%dma_start3A_88 : memref<128xf32, #tpu.memory_space<vmem>>) offsets(%dma_start3A_90 : memref<128xi32, #tpu.memory_space<vmem>>) semaphore(%arg10 : memref<!tpu.dma_semaphore, #tpu.memory_space<semaphore_mem>>)
      %dma_start3A_93 = arith.constant 1664 : i32
      %dma_start3A_94 = tpu.memref_slice %arg7[%dma_start3A_93] : memref<3200xf32, #tpu.memory_space<vmem>> -> memref<128xf32, #tpu.memory_space<vmem>>
      %dma_start3A_95 = arith.constant 1664 : i32
      %dma_start3A_96 = tpu.memref_slice %arg6[%dma_start3A_95] : memref<3200xi32, #tpu.memory_space<vmem>> -> memref<128xi32, #tpu.memory_space<vmem>>
      %dma_start3A_97 = arith.constant 0 : i32
      %dma_start3A_98 = tpu.memref_slice %arg3[%dma_start3A_97] : memref<1000000xf32, #tpu.memory_space<hbm>> -> memref<1000000xf32, #tpu.memory_space<hbm>>
      tpu.enqueue_indirect_dma source(%dma_start3A_98 : memref<1000000xf32, #tpu.memory_space<hbm>>) target(%dma_start3A_94 : memref<128xf32, #tpu.memory_space<vmem>>) offsets(%dma_start3A_96 : memref<128xi32, #tpu.memory_space<vmem>>) semaphore(%arg10 : memref<!tpu.dma_semaphore, #tpu.memory_space<semaphore_mem>>)
      %dma_start3A_99 = arith.constant 1792 : i32
      %dma_start3A_100 = tpu.memref_slice %arg7[%dma_start3A_99] : memref<3200xf32, #tpu.memory_space<vmem>> -> memref<128xf32, #tpu.memory_space<vmem>>
      %dma_start3A_101 = arith.constant 1792 : i32
      %dma_start3A_102 = tpu.memref_slice %arg6[%dma_start3A_101] : memref<3200xi32, #tpu.memory_space<vmem>> -> memref<128xi32, #tpu.memory_space<vmem>>
      %dma_start3A_103 = arith.constant 0 : i32
      %dma_start3A_104 = tpu.memref_slice %arg3[%dma_start3A_103] : memref<1000000xf32, #tpu.memory_space<hbm>> -> memref<1000000xf32, #tpu.memory_space<hbm>>
      tpu.enqueue_indirect_dma source(%dma_start3A_104 : memref<1000000xf32, #tpu.memory_space<hbm>>) target(%dma_start3A_100 : memref<128xf32, #tpu.memory_space<vmem>>) offsets(%dma_start3A_102 : memref<128xi32, #tpu.memory_space<vmem>>) semaphore(%arg10 : memref<!tpu.dma_semaphore, #tpu.memory_space<semaphore_mem>>)
      %dma_start3A_105 = arith.constant 1920 : i32
      %dma_start3A_106 = tpu.memref_slice %arg7[%dma_start3A_105] : memref<3200xf32, #tpu.memory_space<vmem>> -> memref<128xf32, #tpu.memory_space<vmem>>
      %dma_start3A_107 = arith.constant 1920 : i32
      %dma_start3A_108 = tpu.memref_slice %arg6[%dma_start3A_107] : memref<3200xi32, #tpu.memory_space<vmem>> -> memref<128xi32, #tpu.memory_space<vmem>>
      %dma_start3A_109 = arith.constant 0 : i32
      %dma_start3A_110 = tpu.memref_slice %arg3[%dma_start3A_109] : memref<1000000xf32, #tpu.memory_space<hbm>> -> memref<1000000xf32, #tpu.memory_space<hbm>>
      tpu.enqueue_indirect_dma source(%dma_start3A_110 : memref<1000000xf32, #tpu.memory_space<hbm>>) target(%dma_start3A_106 : memref<128xf32, #tpu.memory_space<vmem>>) offsets(%dma_start3A_108 : memref<128xi32, #tpu.memory_space<vmem>>) semaphore(%arg10 : memref<!tpu.dma_semaphore, #tpu.memory_space<semaphore_mem>>)
      %dma_start3A_111 = arith.constant 2048 : i32
      %dma_start3A_112 = tpu.memref_slice %arg7[%dma_start3A_111] : memref<3200xf32, #tpu.memory_space<vmem>> -> memref<128xf32, #tpu.memory_space<vmem>>
      %dma_start3A_113 = arith.constant 2048 : i32
      %dma_start3A_114 = tpu.memref_slice %arg6[%dma_start3A_113] : memref<3200xi32, #tpu.memory_space<vmem>> -> memref<128xi32, #tpu.memory_space<vmem>>
      %dma_start3A_115 = arith.constant 0 : i32
      %dma_start3A_116 = tpu.memref_slice %arg3[%dma_start3A_115] : memref<1000000xf32, #tpu.memory_space<hbm>> -> memref<1000000xf32, #tpu.memory_space<hbm>>
      tpu.enqueue_indirect_dma source(%dma_start3A_116 : memref<1000000xf32, #tpu.memory_space<hbm>>) target(%dma_start3A_112 : memref<128xf32, #tpu.memory_space<vmem>>) offsets(%dma_start3A_114 : memref<128xi32, #tpu.memory_space<vmem>>) semaphore(%arg10 : memref<!tpu.dma_semaphore, #tpu.memory_space<semaphore_mem>>)
      %dma_start3A_117 = arith.constant 2176 : i32
      %dma_start3A_118 = tpu.memref_slice %arg7[%dma_start3A_117] : memref<3200xf32, #tpu.memory_space<vmem>> -> memref<128xf32, #tpu.memory_space<vmem>>
      %dma_start3A_119 = arith.constant 2176 : i32
      %dma_start3A_120 = tpu.memref_slice %arg6[%dma_start3A_119] : memref<3200xi32, #tpu.memory_space<vmem>> -> memref<128xi32, #tpu.memory_space<vmem>>
      %dma_start3A_121 = arith.constant 0 : i32
      %dma_start3A_122 = tpu.memref_slice %arg3[%dma_start3A_121] : memref<1000000xf32, #tpu.memory_space<hbm>> -> memref<1000000xf32, #tpu.memory_space<hbm>>
      tpu.enqueue_indirect_dma source(%dma_start3A_122 : memref<1000000xf32, #tpu.memory_space<hbm>>) target(%dma_start3A_118 : memref<128xf32, #tpu.memory_space<vmem>>) offsets(%dma_start3A_120 : memref<128xi32, #tpu.memory_space<vmem>>) semaphore(%arg10 : memref<!tpu.dma_semaphore, #tpu.memory_space<semaphore_mem>>)
      %dma_start3A_123 = arith.constant 2304 : i32
      %dma_start3A_124 = tpu.memref_slice %arg7[%dma_start3A_123] : memref<3200xf32, #tpu.memory_space<vmem>> -> memref<128xf32, #tpu.memory_space<vmem>>
      %dma_start3A_125 = arith.constant 2304 : i32
      %dma_start3A_126 = tpu.memref_slice %arg6[%dma_start3A_125] : memref<3200xi32, #tpu.memory_space<vmem>> -> memref<128xi32, #tpu.memory_space<vmem>>
      %dma_start3A_127 = arith.constant 0 : i32
      %dma_start3A_128 = tpu.memref_slice %arg3[%dma_start3A_127] : memref<1000000xf32, #tpu.memory_space<hbm>> -> memref<1000000xf32, #tpu.memory_space<hbm>>
      tpu.enqueue_indirect_dma source(%dma_start3A_128 : memref<1000000xf32, #tpu.memory_space<hbm>>) target(%dma_start3A_124 : memref<128xf32, #tpu.memory_space<vmem>>) offsets(%dma_start3A_126 : memref<128xi32, #tpu.memory_space<vmem>>) semaphore(%arg10 : memref<!tpu.dma_semaphore, #tpu.memory_space<semaphore_mem>>)
      %dma_start3A_129 = arith.constant 2432 : i32
      %dma_start3A_130 = tpu.memref_slice %arg7[%dma_start3A_129] : memref<3200xf32, #tpu.memory_space<vmem>> -> memref<128xf32, #tpu.memory_space<vmem>>
      %dma_start3A_131 = arith.constant 2432 : i32
      %dma_start3A_132 = tpu.memref_slice %arg6[%dma_start3A_131] : memref<3200xi32, #tpu.memory_space<vmem>> -> memref<128xi32, #tpu.memory_space<vmem>>
      %dma_start3A_133 = arith.constant 0 : i32
      %dma_start3A_134 = tpu.memref_slice %arg3[%dma_start3A_133] : memref<1000000xf32, #tpu.memory_space<hbm>> -> memref<1000000xf32, #tpu.memory_space<hbm>>
      tpu.enqueue_indirect_dma source(%dma_start3A_134 : memref<1000000xf32, #tpu.memory_space<hbm>>) target(%dma_start3A_130 : memref<128xf32, #tpu.memory_space<vmem>>) offsets(%dma_start3A_132 : memref<128xi32, #tpu.memory_space<vmem>>) semaphore(%arg10 : memref<!tpu.dma_semaphore, #tpu.memory_space<semaphore_mem>>)
      %dma_start3A_135 = arith.constant 2560 : i32
      %dma_start3A_136 = tpu.memref_slice %arg7[%dma_start3A_135] : memref<3200xf32, #tpu.memory_space<vmem>> -> memref<128xf32, #tpu.memory_space<vmem>>
      %dma_start3A_137 = arith.constant 2560 : i32
      %dma_start3A_138 = tpu.memref_slice %arg6[%dma_start3A_137] : memref<3200xi32, #tpu.memory_space<vmem>> -> memref<128xi32, #tpu.memory_space<vmem>>
      %dma_start3A_139 = arith.constant 0 : i32
      %dma_start3A_140 = tpu.memref_slice %arg3[%dma_start3A_139] : memref<1000000xf32, #tpu.memory_space<hbm>> -> memref<1000000xf32, #tpu.memory_space<hbm>>
      tpu.enqueue_indirect_dma source(%dma_start3A_140 : memref<1000000xf32, #tpu.memory_space<hbm>>) target(%dma_start3A_136 : memref<128xf32, #tpu.memory_space<vmem>>) offsets(%dma_start3A_138 : memref<128xi32, #tpu.memory_space<vmem>>) semaphore(%arg10 : memref<!tpu.dma_semaphore, #tpu.memory_space<semaphore_mem>>)
      %dma_start3A_141 = arith.constant 2688 : i32
      %dma_start3A_142 = tpu.memref_slice %arg7[%dma_start3A_141] : memref<3200xf32, #tpu.memory_space<vmem>> -> memref<128xf32, #tpu.memory_space<vmem>>
      %dma_start3A_143 = arith.constant 2688 : i32
      %dma_start3A_144 = tpu.memref_slice %arg6[%dma_start3A_143] : memref<3200xi32, #tpu.memory_space<vmem>> -> memref<128xi32, #tpu.memory_space<vmem>>
      %dma_start3A_145 = arith.constant 0 : i32
      %dma_start3A_146 = tpu.memref_slice %arg3[%dma_start3A_145] : memref<1000000xf32, #tpu.memory_space<hbm>> -> memref<1000000xf32, #tpu.memory_space<hbm>>
      tpu.enqueue_indirect_dma source(%dma_start3A_146 : memref<1000000xf32, #tpu.memory_space<hbm>>) target(%dma_start3A_142 : memref<128xf32, #tpu.memory_space<vmem>>) offsets(%dma_start3A_144 : memref<128xi32, #tpu.memory_space<vmem>>) semaphore(%arg10 : memref<!tpu.dma_semaphore, #tpu.memory_space<semaphore_mem>>)
      %dma_start3A_147 = arith.constant 2816 : i32
      %dma_start3A_148 = tpu.memref_slice %arg7[%dma_start3A_147] : memref<3200xf32, #tpu.memory_space<vmem>> -> memref<128xf32, #tpu.memory_space<vmem>>
      %dma_start3A_149 = arith.constant 2816 : i32
      %dma_start3A_150 = tpu.memref_slice %arg6[%dma_start3A_149] : memref<3200xi32, #tpu.memory_space<vmem>> -> memref<128xi32, #tpu.memory_space<vmem>>
      %dma_start3A_151 = arith.constant 0 : i32
      %dma_start3A_152 = tpu.memref_slice %arg3[%dma_start3A_151] : memref<1000000xf32, #tpu.memory_space<hbm>> -> memref<1000000xf32, #tpu.memory_space<hbm>>
      tpu.enqueue_indirect_dma source(%dma_start3A_152 : memref<1000000xf32, #tpu.memory_space<hbm>>) target(%dma_start3A_148 : memref<128xf32, #tpu.memory_space<vmem>>) offsets(%dma_start3A_150 : memref<128xi32, #tpu.memory_space<vmem>>) semaphore(%arg10 : memref<!tpu.dma_semaphore, #tpu.memory_space<semaphore_mem>>)
      %dma_start3A_153 = arith.constant 2944 : i32
      %dma_start3A_154 = tpu.memref_slice %arg7[%dma_start3A_153] : memref<3200xf32, #tpu.memory_space<vmem>> -> memref<128xf32, #tpu.memory_space<vmem>>
      %dma_start3A_155 = arith.constant 2944 : i32
      %dma_start3A_156 = tpu.memref_slice %arg6[%dma_start3A_155] : memref<3200xi32, #tpu.memory_space<vmem>> -> memref<128xi32, #tpu.memory_space<vmem>>
      %dma_start3A_157 = arith.constant 0 : i32
      %dma_start3A_158 = tpu.memref_slice %arg3[%dma_start3A_157] : memref<1000000xf32, #tpu.memory_space<hbm>> -> memref<1000000xf32, #tpu.memory_space<hbm>>
      tpu.enqueue_indirect_dma source(%dma_start3A_158 : memref<1000000xf32, #tpu.memory_space<hbm>>) target(%dma_start3A_154 : memref<128xf32, #tpu.memory_space<vmem>>) offsets(%dma_start3A_156 : memref<128xi32, #tpu.memory_space<vmem>>) semaphore(%arg10 : memref<!tpu.dma_semaphore, #tpu.memory_space<semaphore_mem>>)
      %dma_start3A_159 = arith.constant 3072 : i32
      %dma_start3A_160 = tpu.memref_slice %arg7[%dma_start3A_159] : memref<3200xf32, #tpu.memory_space<vmem>> -> memref<128xf32, #tpu.memory_space<vmem>>
      %dma_start3A_161 = arith.constant 3072 : i32
      %dma_start3A_162 = tpu.memref_slice %arg6[%dma_start3A_161] : memref<3200xi32, #tpu.memory_space<vmem>> -> memref<128xi32, #tpu.memory_space<vmem>>
      %dma_start3A_163 = arith.constant 0 : i32
      %dma_start3A_164 = tpu.memref_slice %arg3[%dma_start3A_163] : memref<1000000xf32, #tpu.memory_space<hbm>> -> memref<1000000xf32, #tpu.memory_space<hbm>>
      tpu.enqueue_indirect_dma source(%dma_start3A_164 : memref<1000000xf32, #tpu.memory_space<hbm>>) target(%dma_start3A_160 : memref<128xf32, #tpu.memory_space<vmem>>) offsets(%dma_start3A_162 : memref<128xi32, #tpu.memory_space<vmem>>) semaphore(%arg10 : memref<!tpu.dma_semaphore, #tpu.memory_space<semaphore_mem>>)
      %dma_wait3A = arith.constant 0 : i32
      %dma_wait3A_165 = tpu.memref_slice %arg7[%dma_wait3A] : memref<3200xf32, #tpu.memory_space<vmem>> -> memref<128xf32, #tpu.memory_space<vmem>>
      %dma_wait3A_166 = arith.constant 0 : i32
      %dma_wait3A_167 = tpu.memref_slice %arg6[%dma_wait3A_166] : memref<3200xi32, #tpu.memory_space<vmem>> -> memref<128xi32, #tpu.memory_space<vmem>>
      %dma_wait3A_168 = arith.constant 0 : i32
      %dma_wait3A_169 = tpu.memref_slice %arg3[%dma_wait3A_168] : memref<1000000xf32, #tpu.memory_space<hbm>> -> memref<1000000xf32, #tpu.memory_space<hbm>>
      tpu.wait_indirect_dma semaphore(%arg10 : memref<!tpu.dma_semaphore, #tpu.memory_space<semaphore_mem>>) src(%dma_wait3A_169 : memref<1000000xf32, #tpu.memory_space<hbm>>) dst(%dma_wait3A_165 : memref<128xf32, #tpu.memory_space<vmem>>)
      %dma_wait3A_170 = arith.constant 128 : i32
      %dma_wait3A_171 = tpu.memref_slice %arg7[%dma_wait3A_170] : memref<3200xf32, #tpu.memory_space<vmem>> -> memref<128xf32, #tpu.memory_space<vmem>>
      %dma_wait3A_172 = arith.constant 128 : i32
      %dma_wait3A_173 = tpu.memref_slice %arg6[%dma_wait3A_172] : memref<3200xi32, #tpu.memory_space<vmem>> -> memref<128xi32, #tpu.memory_space<vmem>>
      %dma_wait3A_174 = arith.constant 0 : i32
      %dma_wait3A_175 = tpu.memref_slice %arg3[%dma_wait3A_174] : memref<1000000xf32, #tpu.memory_space<hbm>> -> memref<1000000xf32, #tpu.memory_space<hbm>>
      tpu.wait_indirect_dma semaphore(%arg10 : memref<!tpu.dma_semaphore, #tpu.memory_space<semaphore_mem>>) src(%dma_wait3A_175 : memref<1000000xf32, #tpu.memory_space<hbm>>) dst(%dma_wait3A_171 : memref<128xf32, #tpu.memory_space<vmem>>)
      %dma_wait3A_176 = arith.constant 256 : i32
      %dma_wait3A_177 = tpu.memref_slice %arg7[%dma_wait3A_176] : memref<3200xf32, #tpu.memory_space<vmem>> -> memref<128xf32, #tpu.memory_space<vmem>>
      %dma_wait3A_178 = arith.constant 256 : i32
      %dma_wait3A_179 = tpu.memref_slice %arg6[%dma_wait3A_178] : memref<3200xi32, #tpu.memory_space<vmem>> -> memref<128xi32, #tpu.memory_space<vmem>>
      %dma_wait3A_180 = arith.constant 0 : i32
      %dma_wait3A_181 = tpu.memref_slice %arg3[%dma_wait3A_180] : memref<1000000xf32, #tpu.memory_space<hbm>> -> memref<1000000xf32, #tpu.memory_space<hbm>>
      tpu.wait_indirect_dma semaphore(%arg10 : memref<!tpu.dma_semaphore, #tpu.memory_space<semaphore_mem>>) src(%dma_wait3A_181 : memref<1000000xf32, #tpu.memory_space<hbm>>) dst(%dma_wait3A_177 : memref<128xf32, #tpu.memory_space<vmem>>)
      %dma_wait3A_182 = arith.constant 384 : i32
      %dma_wait3A_183 = tpu.memref_slice %arg7[%dma_wait3A_182] : memref<3200xf32, #tpu.memory_space<vmem>> -> memref<128xf32, #tpu.memory_space<vmem>>
      %dma_wait3A_184 = arith.constant 384 : i32
      %dma_wait3A_185 = tpu.memref_slice %arg6[%dma_wait3A_184] : memref<3200xi32, #tpu.memory_space<vmem>> -> memref<128xi32, #tpu.memory_space<vmem>>
      %dma_wait3A_186 = arith.constant 0 : i32
      %dma_wait3A_187 = tpu.memref_slice %arg3[%dma_wait3A_186] : memref<1000000xf32, #tpu.memory_space<hbm>> -> memref<1000000xf32, #tpu.memory_space<hbm>>
      tpu.wait_indirect_dma semaphore(%arg10 : memref<!tpu.dma_semaphore, #tpu.memory_space<semaphore_mem>>) src(%dma_wait3A_187 : memref<1000000xf32, #tpu.memory_space<hbm>>) dst(%dma_wait3A_183 : memref<128xf32, #tpu.memory_space<vmem>>)
      %dma_wait3A_188 = arith.constant 512 : i32
      %dma_wait3A_189 = tpu.memref_slice %arg7[%dma_wait3A_188] : memref<3200xf32, #tpu.memory_space<vmem>> -> memref<128xf32, #tpu.memory_space<vmem>>
      %dma_wait3A_190 = arith.constant 512 : i32
      %dma_wait3A_191 = tpu.memref_slice %arg6[%dma_wait3A_190] : memref<3200xi32, #tpu.memory_space<vmem>> -> memref<128xi32, #tpu.memory_space<vmem>>
      %dma_wait3A_192 = arith.constant 0 : i32
      %dma_wait3A_193 = tpu.memref_slice %arg3[%dma_wait3A_192] : memref<1000000xf32, #tpu.memory_space<hbm>> -> memref<1000000xf32, #tpu.memory_space<hbm>>
      tpu.wait_indirect_dma semaphore(%arg10 : memref<!tpu.dma_semaphore, #tpu.memory_space<semaphore_mem>>) src(%dma_wait3A_193 : memref<1000000xf32, #tpu.memory_space<hbm>>) dst(%dma_wait3A_189 : memref<128xf32, #tpu.memory_space<vmem>>)
      %dma_wait3A_194 = arith.constant 640 : i32
      %dma_wait3A_195 = tpu.memref_slice %arg7[%dma_wait3A_194] : memref<3200xf32, #tpu.memory_space<vmem>> -> memref<128xf32, #tpu.memory_space<vmem>>
      %dma_wait3A_196 = arith.constant 640 : i32
      %dma_wait3A_197 = tpu.memref_slice %arg6[%dma_wait3A_196] : memref<3200xi32, #tpu.memory_space<vmem>> -> memref<128xi32, #tpu.memory_space<vmem>>
      %dma_wait3A_198 = arith.constant 0 : i32
      %dma_wait3A_199 = tpu.memref_slice %arg3[%dma_wait3A_198] : memref<1000000xf32, #tpu.memory_space<hbm>> -> memref<1000000xf32, #tpu.memory_space<hbm>>
      tpu.wait_indirect_dma semaphore(%arg10 : memref<!tpu.dma_semaphore, #tpu.memory_space<semaphore_mem>>) src(%dma_wait3A_199 : memref<1000000xf32, #tpu.memory_space<hbm>>) dst(%dma_wait3A_195 : memref<128xf32, #tpu.memory_space<vmem>>)
      %dma_wait3A_200 = arith.constant 768 : i32
      %dma_wait3A_201 = tpu.memref_slice %arg7[%dma_wait3A_200] : memref<3200xf32, #tpu.memory_space<vmem>> -> memref<128xf32, #tpu.memory_space<vmem>>
      %dma_wait3A_202 = arith.constant 768 : i32
      %dma_wait3A_203 = tpu.memref_slice %arg6[%dma_wait3A_202] : memref<3200xi32, #tpu.memory_space<vmem>> -> memref<128xi32, #tpu.memory_space<vmem>>
      %dma_wait3A_204 = arith.constant 0 : i32
      %dma_wait3A_205 = tpu.memref_slice %arg3[%dma_wait3A_204] : memref<1000000xf32, #tpu.memory_space<hbm>> -> memref<1000000xf32, #tpu.memory_space<hbm>>
      tpu.wait_indirect_dma semaphore(%arg10 : memref<!tpu.dma_semaphore, #tpu.memory_space<semaphore_mem>>) src(%dma_wait3A_205 : memref<1000000xf32, #tpu.memory_space<hbm>>) dst(%dma_wait3A_201 : memref<128xf32, #tpu.memory_space<vmem>>)
      %dma_wait3A_206 = arith.constant 896 : i32
      %dma_wait3A_207 = tpu.memref_slice %arg7[%dma_wait3A_206] : memref<3200xf32, #tpu.memory_space<vmem>> -> memref<128xf32, #tpu.memory_space<vmem>>
      %dma_wait3A_208 = arith.constant 896 : i32
      %dma_wait3A_209 = tpu.memref_slice %arg6[%dma_wait3A_208] : memref<3200xi32, #tpu.memory_space<vmem>> -> memref<128xi32, #tpu.memory_space<vmem>>
      %dma_wait3A_210 = arith.constant 0 : i32
      %dma_wait3A_211 = tpu.memref_slice %arg3[%dma_wait3A_210] : memref<1000000xf32, #tpu.memory_space<hbm>> -> memref<1000000xf32, #tpu.memory_space<hbm>>
      tpu.wait_indirect_dma semaphore(%arg10 : memref<!tpu.dma_semaphore, #tpu.memory_space<semaphore_mem>>) src(%dma_wait3A_211 : memref<1000000xf32, #tpu.memory_space<hbm>>) dst(%dma_wait3A_207 : memref<128xf32, #tpu.memory_space<vmem>>)
      %dma_wait3A_212 = arith.constant 1024 : i32
      %dma_wait3A_213 = tpu.memref_slice %arg7[%dma_wait3A_212] : memref<3200xf32, #tpu.memory_space<vmem>> -> memref<128xf32, #tpu.memory_space<vmem>>
      %dma_wait3A_214 = arith.constant 1024 : i32
      %dma_wait3A_215 = tpu.memref_slice %arg6[%dma_wait3A_214] : memref<3200xi32, #tpu.memory_space<vmem>> -> memref<128xi32, #tpu.memory_space<vmem>>
      %dma_wait3A_216 = arith.constant 0 : i32
      %dma_wait3A_217 = tpu.memref_slice %arg3[%dma_wait3A_216] : memref<1000000xf32, #tpu.memory_space<hbm>> -> memref<1000000xf32, #tpu.memory_space<hbm>>
      tpu.wait_indirect_dma semaphore(%arg10 : memref<!tpu.dma_semaphore, #tpu.memory_space<semaphore_mem>>) src(%dma_wait3A_217 : memref<1000000xf32, #tpu.memory_space<hbm>>) dst(%dma_wait3A_213 : memref<128xf32, #tpu.memory_space<vmem>>)
      %dma_wait3A_218 = arith.constant 1152 : i32
      %dma_wait3A_219 = tpu.memref_slice %arg7[%dma_wait3A_218] : memref<3200xf32, #tpu.memory_space<vmem>> -> memref<128xf32, #tpu.memory_space<vmem>>
      %dma_wait3A_220 = arith.constant 1152 : i32
      %dma_wait3A_221 = tpu.memref_slice %arg6[%dma_wait3A_220] : memref<3200xi32, #tpu.memory_space<vmem>> -> memref<128xi32, #tpu.memory_space<vmem>>
      %dma_wait3A_222 = arith.constant 0 : i32
      %dma_wait3A_223 = tpu.memref_slice %arg3[%dma_wait3A_222] : memref<1000000xf32, #tpu.memory_space<hbm>> -> memref<1000000xf32, #tpu.memory_space<hbm>>
      tpu.wait_indirect_dma semaphore(%arg10 : memref<!tpu.dma_semaphore, #tpu.memory_space<semaphore_mem>>) src(%dma_wait3A_223 : memref<1000000xf32, #tpu.memory_space<hbm>>) dst(%dma_wait3A_219 : memref<128xf32, #tpu.memory_space<vmem>>)
      %dma_wait3A_224 = arith.constant 1280 : i32
      %dma_wait3A_225 = tpu.memref_slice %arg7[%dma_wait3A_224] : memref<3200xf32, #tpu.memory_space<vmem>> -> memref<128xf32, #tpu.memory_space<vmem>>
      %dma_wait3A_226 = arith.constant 1280 : i32
      %dma_wait3A_227 = tpu.memref_slice %arg6[%dma_wait3A_226] : memref<3200xi32, #tpu.memory_space<vmem>> -> memref<128xi32, #tpu.memory_space<vmem>>
      %dma_wait3A_228 = arith.constant 0 : i32
      %dma_wait3A_229 = tpu.memref_slice %arg3[%dma_wait3A_228] : memref<1000000xf32, #tpu.memory_space<hbm>> -> memref<1000000xf32, #tpu.memory_space<hbm>>
      tpu.wait_indirect_dma semaphore(%arg10 : memref<!tpu.dma_semaphore, #tpu.memory_space<semaphore_mem>>) src(%dma_wait3A_229 : memref<1000000xf32, #tpu.memory_space<hbm>>) dst(%dma_wait3A_225 : memref<128xf32, #tpu.memory_space<vmem>>)
      %dma_wait3A_230 = arith.constant 1408 : i32
      %dma_wait3A_231 = tpu.memref_slice %arg7[%dma_wait3A_230] : memref<3200xf32, #tpu.memory_space<vmem>> -> memref<128xf32, #tpu.memory_space<vmem>>
      %dma_wait3A_232 = arith.constant 1408 : i32
      %dma_wait3A_233 = tpu.memref_slice %arg6[%dma_wait3A_232] : memref<3200xi32, #tpu.memory_space<vmem>> -> memref<128xi32, #tpu.memory_space<vmem>>
      %dma_wait3A_234 = arith.constant 0 : i32
      %dma_wait3A_235 = tpu.memref_slice %arg3[%dma_wait3A_234] : memref<1000000xf32, #tpu.memory_space<hbm>> -> memref<1000000xf32, #tpu.memory_space<hbm>>
      tpu.wait_indirect_dma semaphore(%arg10 : memref<!tpu.dma_semaphore, #tpu.memory_space<semaphore_mem>>) src(%dma_wait3A_235 : memref<1000000xf32, #tpu.memory_space<hbm>>) dst(%dma_wait3A_231 : memref<128xf32, #tpu.memory_space<vmem>>)
      %dma_wait3A_236 = arith.constant 1536 : i32
      %dma_wait3A_237 = tpu.memref_slice %arg7[%dma_wait3A_236] : memref<3200xf32, #tpu.memory_space<vmem>> -> memref<128xf32, #tpu.memory_space<vmem>>
      %dma_wait3A_238 = arith.constant 1536 : i32
      %dma_wait3A_239 = tpu.memref_slice %arg6[%dma_wait3A_238] : memref<3200xi32, #tpu.memory_space<vmem>> -> memref<128xi32, #tpu.memory_space<vmem>>
      %dma_wait3A_240 = arith.constant 0 : i32
      %dma_wait3A_241 = tpu.memref_slice %arg3[%dma_wait3A_240] : memref<1000000xf32, #tpu.memory_space<hbm>> -> memref<1000000xf32, #tpu.memory_space<hbm>>
      tpu.wait_indirect_dma semaphore(%arg10 : memref<!tpu.dma_semaphore, #tpu.memory_space<semaphore_mem>>) src(%dma_wait3A_241 : memref<1000000xf32, #tpu.memory_space<hbm>>) dst(%dma_wait3A_237 : memref<128xf32, #tpu.memory_space<vmem>>)
      %dma_wait3A_242 = arith.constant 1664 : i32
      %dma_wait3A_243 = tpu.memref_slice %arg7[%dma_wait3A_242] : memref<3200xf32, #tpu.memory_space<vmem>> -> memref<128xf32, #tpu.memory_space<vmem>>
      %dma_wait3A_244 = arith.constant 1664 : i32
      %dma_wait3A_245 = tpu.memref_slice %arg6[%dma_wait3A_244] : memref<3200xi32, #tpu.memory_space<vmem>> -> memref<128xi32, #tpu.memory_space<vmem>>
      %dma_wait3A_246 = arith.constant 0 : i32
      %dma_wait3A_247 = tpu.memref_slice %arg3[%dma_wait3A_246] : memref<1000000xf32, #tpu.memory_space<hbm>> -> memref<1000000xf32, #tpu.memory_space<hbm>>
      tpu.wait_indirect_dma semaphore(%arg10 : memref<!tpu.dma_semaphore, #tpu.memory_space<semaphore_mem>>) src(%dma_wait3A_247 : memref<1000000xf32, #tpu.memory_space<hbm>>) dst(%dma_wait3A_243 : memref<128xf32, #tpu.memory_space<vmem>>)
      %dma_wait3A_248 = arith.constant 1792 : i32
      %dma_wait3A_249 = tpu.memref_slice %arg7[%dma_wait3A_248] : memref<3200xf32, #tpu.memory_space<vmem>> -> memref<128xf32, #tpu.memory_space<vmem>>
      %dma_wait3A_250 = arith.constant 1792 : i32
      %dma_wait3A_251 = tpu.memref_slice %arg6[%dma_wait3A_250] : memref<3200xi32, #tpu.memory_space<vmem>> -> memref<128xi32, #tpu.memory_space<vmem>>
      %dma_wait3A_252 = arith.constant 0 : i32
      %dma_wait3A_253 = tpu.memref_slice %arg3[%dma_wait3A_252] : memref<1000000xf32, #tpu.memory_space<hbm>> -> memref<1000000xf32, #tpu.memory_space<hbm>>
      tpu.wait_indirect_dma semaphore(%arg10 : memref<!tpu.dma_semaphore, #tpu.memory_space<semaphore_mem>>) src(%dma_wait3A_253 : memref<1000000xf32, #tpu.memory_space<hbm>>) dst(%dma_wait3A_249 : memref<128xf32, #tpu.memory_space<vmem>>)
      %dma_wait3A_254 = arith.constant 1920 : i32
      %dma_wait3A_255 = tpu.memref_slice %arg7[%dma_wait3A_254] : memref<3200xf32, #tpu.memory_space<vmem>> -> memref<128xf32, #tpu.memory_space<vmem>>
      %dma_wait3A_256 = arith.constant 1920 : i32
      %dma_wait3A_257 = tpu.memref_slice %arg6[%dma_wait3A_256] : memref<3200xi32, #tpu.memory_space<vmem>> -> memref<128xi32, #tpu.memory_space<vmem>>
      %dma_wait3A_258 = arith.constant 0 : i32
      %dma_wait3A_259 = tpu.memref_slice %arg3[%dma_wait3A_258] : memref<1000000xf32, #tpu.memory_space<hbm>> -> memref<1000000xf32, #tpu.memory_space<hbm>>
      tpu.wait_indirect_dma semaphore(%arg10 : memref<!tpu.dma_semaphore, #tpu.memory_space<semaphore_mem>>) src(%dma_wait3A_259 : memref<1000000xf32, #tpu.memory_space<hbm>>) dst(%dma_wait3A_255 : memref<128xf32, #tpu.memory_space<vmem>>)
      %dma_wait3A_260 = arith.constant 2048 : i32
      %dma_wait3A_261 = tpu.memref_slice %arg7[%dma_wait3A_260] : memref<3200xf32, #tpu.memory_space<vmem>> -> memref<128xf32, #tpu.memory_space<vmem>>
      %dma_wait3A_262 = arith.constant 2048 : i32
      %dma_wait3A_263 = tpu.memref_slice %arg6[%dma_wait3A_262] : memref<3200xi32, #tpu.memory_space<vmem>> -> memref<128xi32, #tpu.memory_space<vmem>>
      %dma_wait3A_264 = arith.constant 0 : i32
      %dma_wait3A_265 = tpu.memref_slice %arg3[%dma_wait3A_264] : memref<1000000xf32, #tpu.memory_space<hbm>> -> memref<1000000xf32, #tpu.memory_space<hbm>>
      tpu.wait_indirect_dma semaphore(%arg10 : memref<!tpu.dma_semaphore, #tpu.memory_space<semaphore_mem>>) src(%dma_wait3A_265 : memref<1000000xf32, #tpu.memory_space<hbm>>) dst(%dma_wait3A_261 : memref<128xf32, #tpu.memory_space<vmem>>)
      %dma_wait3A_266 = arith.constant 2176 : i32
      %dma_wait3A_267 = tpu.memref_slice %arg7[%dma_wait3A_266] : memref<3200xf32, #tpu.memory_space<vmem>> -> memref<128xf32, #tpu.memory_space<vmem>>
      %dma_wait3A_268 = arith.constant 2176 : i32
      %dma_wait3A_269 = tpu.memref_slice %arg6[%dma_wait3A_268] : memref<3200xi32, #tpu.memory_space<vmem>> -> memref<128xi32, #tpu.memory_space<vmem>>
      %dma_wait3A_270 = arith.constant 0 : i32
      %dma_wait3A_271 = tpu.memref_slice %arg3[%dma_wait3A_270] : memref<1000000xf32, #tpu.memory_space<hbm>> -> memref<1000000xf32, #tpu.memory_space<hbm>>
      tpu.wait_indirect_dma semaphore(%arg10 : memref<!tpu.dma_semaphore, #tpu.memory_space<semaphore_mem>>) src(%dma_wait3A_271 : memref<1000000xf32, #tpu.memory_space<hbm>>) dst(%dma_wait3A_267 : memref<128xf32, #tpu.memory_space<vmem>>)
      %dma_wait3A_272 = arith.constant 2304 : i32
      %dma_wait3A_273 = tpu.memref_slice %arg7[%dma_wait3A_272] : memref<3200xf32, #tpu.memory_space<vmem>> -> memref<128xf32, #tpu.memory_space<vmem>>
      %dma_wait3A_274 = arith.constant 2304 : i32
      %dma_wait3A_275 = tpu.memref_slice %arg6[%dma_wait3A_274] : memref<3200xi32, #tpu.memory_space<vmem>> -> memref<128xi32, #tpu.memory_space<vmem>>
      %dma_wait3A_276 = arith.constant 0 : i32
      %dma_wait3A_277 = tpu.memref_slice %arg3[%dma_wait3A_276] : memref<1000000xf32, #tpu.memory_space<hbm>> -> memref<1000000xf32, #tpu.memory_space<hbm>>
      tpu.wait_indirect_dma semaphore(%arg10 : memref<!tpu.dma_semaphore, #tpu.memory_space<semaphore_mem>>) src(%dma_wait3A_277 : memref<1000000xf32, #tpu.memory_space<hbm>>) dst(%dma_wait3A_273 : memref<128xf32, #tpu.memory_space<vmem>>)
      %dma_wait3A_278 = arith.constant 2432 : i32
      %dma_wait3A_279 = tpu.memref_slice %arg7[%dma_wait3A_278] : memref<3200xf32, #tpu.memory_space<vmem>> -> memref<128xf32, #tpu.memory_space<vmem>>
      %dma_wait3A_280 = arith.constant 2432 : i32
      %dma_wait3A_281 = tpu.memref_slice %arg6[%dma_wait3A_280] : memref<3200xi32, #tpu.memory_space<vmem>> -> memref<128xi32, #tpu.memory_space<vmem>>
      %dma_wait3A_282 = arith.constant 0 : i32
      %dma_wait3A_283 = tpu.memref_slice %arg3[%dma_wait3A_282] : memref<1000000xf32, #tpu.memory_space<hbm>> -> memref<1000000xf32, #tpu.memory_space<hbm>>
      tpu.wait_indirect_dma semaphore(%arg10 : memref<!tpu.dma_semaphore, #tpu.memory_space<semaphore_mem>>) src(%dma_wait3A_283 : memref<1000000xf32, #tpu.memory_space<hbm>>) dst(%dma_wait3A_279 : memref<128xf32, #tpu.memory_space<vmem>>)
      %dma_wait3A_284 = arith.constant 2560 : i32
      %dma_wait3A_285 = tpu.memref_slice %arg7[%dma_wait3A_284] : memref<3200xf32, #tpu.memory_space<vmem>> -> memref<128xf32, #tpu.memory_space<vmem>>
      %dma_wait3A_286 = arith.constant 2560 : i32
      %dma_wait3A_287 = tpu.memref_slice %arg6[%dma_wait3A_286] : memref<3200xi32, #tpu.memory_space<vmem>> -> memref<128xi32, #tpu.memory_space<vmem>>
      %dma_wait3A_288 = arith.constant 0 : i32
      %dma_wait3A_289 = tpu.memref_slice %arg3[%dma_wait3A_288] : memref<1000000xf32, #tpu.memory_space<hbm>> -> memref<1000000xf32, #tpu.memory_space<hbm>>
      tpu.wait_indirect_dma semaphore(%arg10 : memref<!tpu.dma_semaphore, #tpu.memory_space<semaphore_mem>>) src(%dma_wait3A_289 : memref<1000000xf32, #tpu.memory_space<hbm>>) dst(%dma_wait3A_285 : memref<128xf32, #tpu.memory_space<vmem>>)
      %dma_wait3A_290 = arith.constant 2688 : i32
      %dma_wait3A_291 = tpu.memref_slice %arg7[%dma_wait3A_290] : memref<3200xf32, #tpu.memory_space<vmem>> -> memref<128xf32, #tpu.memory_space<vmem>>
      %dma_wait3A_292 = arith.constant 2688 : i32
      %dma_wait3A_293 = tpu.memref_slice %arg6[%dma_wait3A_292] : memref<3200xi32, #tpu.memory_space<vmem>> -> memref<128xi32, #tpu.memory_space<vmem>>
      %dma_wait3A_294 = arith.constant 0 : i32
      %dma_wait3A_295 = tpu.memref_slice %arg3[%dma_wait3A_294] : memref<1000000xf32, #tpu.memory_space<hbm>> -> memref<1000000xf32, #tpu.memory_space<hbm>>
      tpu.wait_indirect_dma semaphore(%arg10 : memref<!tpu.dma_semaphore, #tpu.memory_space<semaphore_mem>>) src(%dma_wait3A_295 : memref<1000000xf32, #tpu.memory_space<hbm>>) dst(%dma_wait3A_291 : memref<128xf32, #tpu.memory_space<vmem>>)
      %dma_wait3A_296 = arith.constant 2816 : i32
      %dma_wait3A_297 = tpu.memref_slice %arg7[%dma_wait3A_296] : memref<3200xf32, #tpu.memory_space<vmem>> -> memref<128xf32, #tpu.memory_space<vmem>>
      %dma_wait3A_298 = arith.constant 2816 : i32
      %dma_wait3A_299 = tpu.memref_slice %arg6[%dma_wait3A_298] : memref<3200xi32, #tpu.memory_space<vmem>> -> memref<128xi32, #tpu.memory_space<vmem>>
      %dma_wait3A_300 = arith.constant 0 : i32
      %dma_wait3A_301 = tpu.memref_slice %arg3[%dma_wait3A_300] : memref<1000000xf32, #tpu.memory_space<hbm>> -> memref<1000000xf32, #tpu.memory_space<hbm>>
      tpu.wait_indirect_dma semaphore(%arg10 : memref<!tpu.dma_semaphore, #tpu.memory_space<semaphore_mem>>) src(%dma_wait3A_301 : memref<1000000xf32, #tpu.memory_space<hbm>>) dst(%dma_wait3A_297 : memref<128xf32, #tpu.memory_space<vmem>>)
      %dma_wait3A_302 = arith.constant 2944 : i32
      %dma_wait3A_303 = tpu.memref_slice %arg7[%dma_wait3A_302] : memref<3200xf32, #tpu.memory_space<vmem>> -> memref<128xf32, #tpu.memory_space<vmem>>
      %dma_wait3A_304 = arith.constant 2944 : i32
      %dma_wait3A_305 = tpu.memref_slice %arg6[%dma_wait3A_304] : memref<3200xi32, #tpu.memory_space<vmem>> -> memref<128xi32, #tpu.memory_space<vmem>>
      %dma_wait3A_306 = arith.constant 0 : i32
      %dma_wait3A_307 = tpu.memref_slice %arg3[%dma_wait3A_306] : memref<1000000xf32, #tpu.memory_space<hbm>> -> memref<1000000xf32, #tpu.memory_space<hbm>>
      tpu.wait_indirect_dma semaphore(%arg10 : memref<!tpu.dma_semaphore, #tpu.memory_space<semaphore_mem>>) src(%dma_wait3A_307 : memref<1000000xf32, #tpu.memory_space<hbm>>) dst(%dma_wait3A_303 : memref<128xf32, #tpu.memory_space<vmem>>)
      %dma_wait3A_308 = arith.constant 3072 : i32
      %dma_wait3A_309 = tpu.memref_slice %arg7[%dma_wait3A_308] : memref<3200xf32, #tpu.memory_space<vmem>> -> memref<128xf32, #tpu.memory_space<vmem>>
      %dma_wait3A_310 = arith.constant 3072 : i32
      %dma_wait3A_311 = tpu.memref_slice %arg6[%dma_wait3A_310] : memref<3200xi32, #tpu.memory_space<vmem>> -> memref<128xi32, #tpu.memory_space<vmem>>
      %dma_wait3A_312 = arith.constant 0 : i32
      %dma_wait3A_313 = tpu.memref_slice %arg3[%dma_wait3A_312] : memref<1000000xf32, #tpu.memory_space<hbm>> -> memref<1000000xf32, #tpu.memory_space<hbm>>
      tpu.wait_indirect_dma semaphore(%arg10 : memref<!tpu.dma_semaphore, #tpu.memory_space<semaphore_mem>>) src(%dma_wait3A_313 : memref<1000000xf32, #tpu.memory_space<hbm>>) dst(%dma_wait3A_309 : memref<128xf32, #tpu.memory_space<vmem>>)
      %broadcast_in_dim3A = arith.constant 0.000000e+00 : f32
      %broadcast_in_dim3A_314 = vector.broadcast %broadcast_in_dim3A : f32 to vector<16xf32>
      %scan3A_315 = arith.constant 0 : i32
      %scan3A_316 = arith.constant 25 : i32
      %scan3A_317 = arith.addi %scan3A_315, %scan3A_316 : i32
      %scan3A_318 = arith.constant 1 : i32
      %scan3A_319:4 = scf.for %scan3A_351 = %scan3A_315 to %scan3A_317 step %scan3A_318 iter_args(%scan3A_352 = %broadcast_in_dim3A_314, %scan3A_353 = %broadcast_in_dim3A_314, %scan3A_354 = %broadcast_in_dim3A_314, %scan3A_355 = %broadcast_in_dim3A_314) -> (vector<16xf32>, vector<16xf32>, vector<16xf32>, vector<16xf32>)  : i32 {
        %mul3A_356 = arith.constant 128 : i32
        %mul3A_357 = arith.muli %scan3A_351, %mul3A_356 : i32
        %add3A_358 = arith.constant 0 : i32
        %add3A_359 = arith.addi %mul3A_357, %add3A_358 : i32
        %get3A_360 = arith.index_cast %add3A_359 : i32 to index
        %get3A_361 = tpu.vector_load %arg7[%get3A_360] {strides = array<i32>} : memref<3200xf32, #tpu.memory_space<vmem>>, vector<16xf32>,
        %get3A_362 = vector.shape_cast %get3A_361 : vector<16xf32> to vector<16xf32>
        %add3A_363 = arith.addf %scan3A_352, %get3A_362 : vector<16xf32>
        %add3A_364 = arith.constant 64 : i32
        %add3A_365 = arith.addi %mul3A_357, %add3A_364 : i32
        %get3A_366 = arith.index_cast %add3A_365 : i32 to index
        %get3A_367 = tpu.vector_load %arg7[%get3A_366] {strides = array<i32>} : memref<3200xf32, #tpu.memory_space<vmem>>, vector<16xf32>,
        %get3A_368 = vector.shape_cast %get3A_367 : vector<16xf32> to vector<16xf32>
        %add3A_369 = arith.addf %add3A_363, %get3A_368 : vector<16xf32>
        %add3A_370 = arith.constant 16 : i32
        %add3A_371 = arith.addi %mul3A_357, %add3A_370 : i32
        %get3A_372 = arith.index_cast %add3A_371 : i32 to index
        %get3A_373 = tpu.vector_load %arg7[%get3A_372] {strides = array<i32>} : memref<3200xf32, #tpu.memory_space<vmem>>, vector<16xf32>,
        %get3A_374 = vector.shape_cast %get3A_373 : vector<16xf32> to vector<16xf32>
        %add3A_375 = arith.addf %scan3A_353, %get3A_374 : vector<16xf32>
        %add3A_376 = arith.constant 80 : i32
        %add3A_377 = arith.addi %mul3A_357, %add3A_376 : i32
        %get3A_378 = arith.index_cast %add3A_377 : i32 to index
        %get3A_379 = tpu.vector_load %arg7[%get3A_378] {strides = array<i32>} : memref<3200xf32, #tpu.memory_space<vmem>>, vector<16xf32>,
        %get3A_380 = vector.shape_cast %get3A_379 : vector<16xf32> to vector<16xf32>
        %add3A_381 = arith.addf %add3A_375, %get3A_380 : vector<16xf32>
        %add3A_382 = arith.constant 32 : i32
        %add3A_383 = arith.addi %mul3A_357, %add3A_382 : i32
        %get3A_384 = arith.index_cast %add3A_383 : i32 to index
        %get3A_385 = tpu.vector_load %arg7[%get3A_384] {strides = array<i32>} : memref<3200xf32, #tpu.memory_space<vmem>>, vector<16xf32>,
        %get3A_386 = vector.shape_cast %get3A_385 : vector<16xf32> to vector<16xf32>
        %add3A_387 = arith.addf %scan3A_354, %get3A_386 : vector<16xf32>
        %add3A_388 = arith.constant 96 : i32
        %add3A_389 = arith.addi %mul3A_357, %add3A_388 : i32
        %get3A_390 = arith.index_cast %add3A_389 : i32 to index
        %get3A_391 = tpu.vector_load %arg7[%get3A_390] {strides = array<i32>} : memref<3200xf32, #tpu.memory_space<vmem>>, vector<16xf32>,
        %get3A_392 = vector.shape_cast %get3A_391 : vector<16xf32> to vector<16xf32>
        %add3A_393 = arith.addf %add3A_387, %get3A_392 : vector<16xf32>
        %add3A_394 = arith.constant 48 : i32
        %add3A_395 = arith.addi %mul3A_357, %add3A_394 : i32
        %get3A_396 = arith.index_cast %add3A_395 : i32 to index
        %get3A_397 = tpu.vector_load %arg7[%get3A_396] {strides = array<i32>} : memref<3200xf32, #tpu.memory_space<vmem>>, vector<16xf32>,
        %get3A_398 = vector.shape_cast %get3A_397 : vector<16xf32> to vector<16xf32>
        %add3A_399 = arith.addf %scan3A_355, %get3A_398 : vector<16xf32>
        %add3A_400 = arith.constant 112 : i32
        %add3A_401 = arith.addi %mul3A_357, %add3A_400 : i32
        %get3A_402 = arith.index_cast %add3A_401 : i32 to index
        %get3A_403 = tpu.vector_load %arg7[%get3A_402] {strides = array<i32>} : memref<3200xf32, #tpu.memory_space<vmem>>, vector<16xf32>,
        %get3A_404 = vector.shape_cast %get3A_403 : vector<16xf32> to vector<16xf32>
        %add3A_405 = arith.addf %add3A_399, %get3A_404 : vector<16xf32>
        scf.yield %add3A_369, %add3A_381, %add3A_393, %add3A_405 : vector<16xf32>, vector<16xf32>, vector<16xf32>, vector<16xf32>
      }
      %scan3A_320 = arith.constant 25 : i32
      %add3A_321 = arith.addf %scan3A_319#0, %scan3A_319#1 : vector<16xf32>
      %add3A_322 = arith.addf %scan3A_319#2, %scan3A_319#3 : vector<16xf32>
      %add3A_323 = arith.addf %add3A_321, %add3A_322 : vector<16xf32>
      %mul3A_324 = arith.constant 5.000000e-03 : f32
      %mul3A_325 = vector.broadcast %mul3A_324 : f32 to vector<16xf32>
      %mul3A_326 = arith.mulf %add3A_323, %mul3A_325 : vector<16xf32>
      %add3A_327 = arith.addf %mul3A_326, %get3A_2 : vector<16xf32>
      %neg3A = arith.constant 0.000000e+00 : f32
      %neg3A_328 = vector.broadcast %neg3A : f32 to vector<16xf32>
      %neg3A_329 = arith.subf %neg3A_328, %add3A_327 : vector<16xf32>
      %exp3A = math.exp %neg3A_329 : vector<16xf32>
      %add3A_330 = arith.constant 1.000000e+00 : f32
      %add3A_331 = vector.broadcast %add3A_330 : f32 to vector<16xf32>
      %add3A_332 = arith.addf %add3A_331, %exp3A : vector<16xf32>
      %div3A = arith.constant 1.000000e+00 : f32
      %div3A_333 = vector.broadcast %div3A : f32 to vector<16xf32>
      %div3A_334 = arith.divf %div3A_333, %add3A_332 : vector<16xf32>
      %mul3A_335 = arith.constant 1.000000e+04 : f32
      %mul3A_336 = vector.broadcast %mul3A_335 : f32 to vector<16xf32>
      %mul3A_337 = arith.mulf %div3A_334, %mul3A_336 : vector<16xf32>
      %add3A_338 = arith.constant 0x4B000000 : f32
      %add3A_339 = vector.broadcast %add3A_338 : f32 to vector<16xf32>
      %add3A_340 = arith.addf %mul3A_337, %add3A_339 : vector<16xf32>
      %sub3A = arith.constant 0x4B000000 : f32
      %sub3A_341 = vector.broadcast %sub3A : f32 to vector<16xf32>
      %sub3A_342 = arith.subf %add3A_340, %sub3A_341 : vector<16xf32>
      %div3A_343 = arith.constant 1.000000e+04 : f32
      %div3A_344 = vector.broadcast %div3A_343 : f32 to vector<16xf32>
      %div3A_345 = arith.divf %sub3A_342, %div3A_344 : vector<16xf32>
      %mul3A_346 = arith.constant 16 : i32
      %mul3A_347 = arith.muli %scan3A_12, %mul3A_346 : i32
      %swap3A = arith.index_cast %mul3A_347 : i32 to index
      %swap3A_348 = tpu.vector_load %arg9[%swap3A] {strides = array<i32>} : memref<512xf32, #tpu.memory_space<vmem>>, vector<16xf32>,
      %swap3A_349 = vector.shape_cast %swap3A_348 : vector<16xf32> to vector<16xf32>
      %swap3A_350 = vector.shape_cast %div3A_345 : vector<16xf32> to vector<16xf32>
      tpu.vector_store %arg9[%swap3A], %swap3A_350 {strides = array<i32>} : memref<512xf32, #tpu.memory_space<vmem>>, vector<16xf32>,
    }
    %scan3A_9 = arith.constant 32 : i32
    %mul3A_10 = arith.constant 512 : i32
    %mul3A_11 = arith.muli %add3A, %mul3A_10 : i32
    "tpu.region"() ({
      %run_scoped3A = tpu.sem_alloc : memref<!tpu.dma_semaphore, #tpu.memory_space<semaphore_mem>>
      %dma_start3A = tpu.memref_slice %arg5[%mul3A_11] : memref<16384xf32, #tpu.memory_space<hbm>> -> memref<512xf32, #tpu.memory_space<hbm>>
      %dma_start3A_12 = tpu.memref_slice %arg5[%mul3A_11] : memref<16384xf32, #tpu.memory_space<hbm>> -> memref<512xf32, #tpu.memory_space<hbm>>
      tpu.enqueue_dma source(%arg9 : memref<512xf32, #tpu.memory_space<vmem>>) target(%dma_start3A_12 : memref<512xf32, #tpu.memory_space<hbm>>) target_semaphore(%run_scoped3A : memref<!tpu.dma_semaphore, #tpu.memory_space<semaphore_mem>>)
      %dma_wait3A = tpu.memref_slice %arg5[%mul3A_11] : memref<16384xf32, #tpu.memory_space<hbm>> -> memref<512xf32, #tpu.memory_space<hbm>>
      %dma_wait3A_13 = tpu.memref_slice %arg5[%mul3A_11] : memref<16384xf32, #tpu.memory_space<hbm>> -> memref<512xf32, #tpu.memory_space<hbm>>
      tpu.wait_dma2 semaphore(%run_scoped3A : memref<!tpu.dma_semaphore, #tpu.memory_space<semaphore_mem>>) src(%arg9 : memref<512xf32, #tpu.memory_space<vmem>>) dst(%dma_wait3A_13 : memref<512xf32, #tpu.memory_space<hbm>>)
      tpu.yield
    }) : () -> ()
    return
  }
}

module attributes {stable_mosaic.version = 14 : i64} {
  func.func @body(%arg0: i32, %arg1: memref<8000x16xf32, #tpu.memory_space<vmem>>, %arg2: memref<1x16xf32, #tpu.memory_space<vmem>>, %arg3: memref<8000x1xf32, #tpu.memory_space<vmem>>) attributes {dimension_semantics = [#tpu.dimension_semantics<arbitrary>], iteration_bounds = array<i64: 125>, scalar_prefetch = 0 : i64, scratch_operands = 0 : i64, tpu.core_type = #tpu.core_type<tc>, window_params = [{transform_indices = @transform_0, window_bounds = array<i64: 8000, 16>}, {pipeline_mode = #tpu.pipeline_mode<synchronous>, transform_indices = @transform_1, window_bounds = array<i64: 1, 16>}, {transform_indices = @transform_2, window_bounds = array<i64: 8000, 1>}]} {
    %get3A = arith.constant 0 : index
    %get3A_0 = arith.constant 0 : index
    %get3A_1 = vector.load %arg1[%get3A, %get3A_0] : memref<8000x16xf32, #tpu.memory_space<vmem>>, vector<8000x16xf32>
    %get3A_2 = arith.constant 0 : index
    %get3A_3 = arith.constant 0 : index
    %get3A_4 = vector.load %arg2[%get3A_2, %get3A_3] : memref<1x16xf32, #tpu.memory_space<vmem>>, vector<1x16xf32>
    %dot_general3A = arith.constant dense<0.000000e+00> : vector<8000x1xf32>
    %dot_general3A_5 = tpu.matmul %get3A_1, %get3A_4, %dot_general3A {dimension_numbers = #tpu.dot_dimension_numbers<[1], [1], [0], [0], [0, 0, 1, 0], [], []>, transpose_lhs_hint = false} : vector<8000x16xf32>, vector<1x16xf32>, vector<8000x1xf32> -> vector<8000x1xf32>
    %swap3A = arith.constant 0 : index
    %swap3A_6 = arith.constant 0 : index
    %swap3A_7 = vector.load %arg3[%swap3A, %swap3A_6] : memref<8000x1xf32, #tpu.memory_space<vmem>>, vector<8000x1xf32>
    tpu.vector_store %arg3[%swap3A, %swap3A_6], %dot_general3A_5 {strides = array<i32>} : memref<8000x1xf32, #tpu.memory_space<vmem>>, vector<8000x1xf32>,
    return
  }
  func.func @transform_0(%arg0: i32) -> (i32, i32) {
    %c0_i32 = arith.constant 0 : i32
    %c0_i32_0 = arith.constant 0 : i32
    return %arg0, %c0_i32 : i32, i32
  }
  func.func @transform_1(%arg0: i32) -> (i32, i32) {
    %c0_i32 = arith.constant 0 : i32
    %c0_i32_0 = arith.constant 0 : i32
    %c0_i32_1 = arith.constant 0 : i32
    return %c0_i32, %c0_i32_0 : i32, i32
  }
  func.func @transform_2(%arg0: i32) -> (i32, i32) {
    %c0_i32 = arith.constant 0 : i32
    %c0_i32_0 = arith.constant 0 : i32
    return %arg0, %c0_i32 : i32, i32
  }
}

</mosaic_0001>

<sc_bundles>
// kernel: kernel.4.cloned.1.call-start
scs
__scs_entry_jumppad:
0x0: {  	(pc) =	sbr.rel $0x88, $3  }
0x1: {  	(tag) =	ssettag $0x0;
	lr =	simm.s32 $0x1  }
0x2: {  	[smem:$0x3F9D] =	sst lr;
	_ =	strace $0xD0000000  }
0x3: {  	_ = 	snop  }
0x4: {  	_ = 	snop  }
0x5: {  	_ = 	snop  }
0x6: {  	_ = 	snop  }
0x7: {  	_ = 	snop  }
__scs_overlays_trampoline_lowered:
0x8: {  	[smem:$0x3FAC] =	sst s0  }
0x9: {  	[smem:$0x3FAD] =	sst s1  }
0xa: {  	[smem:$0x3FAE] =	sst s2  }
0xb: {  	[smem:$0x3FAF] =	sst s3  }
0xc: {  	[smem:$0x3FB0] =	sst s4  }
0xd: {  	[smem:$0x3FB1] =	sst s5  }
0xe: {  	[smem:$0x3FB2] =	sst s6  }
0xf: {  	[smem:$0x3FB3] =	sst s7  }
0x10: {  	[smem:$0x3FB4] =	sst s8  }
0x11: {  	[smem:$0x3FB5] =	sst s9;
	s0 =	simm.s32 @!p0 $0x0  }
0x12: {  	s1 =	sld [smem:$0x3F9B];
	s0 =	simm.s32 @p0 $0x1  }
0x13: {  	[smem:$0x3FB6] =	sst s0;
	s0 =	simm.s32 @!p1 $0x0  }
0x14: {  	s2 =	sld [smem:$0x3F9A];
	s0 =	simm.s32 @p1 $0x1  }
0x15: {  	[smem:$0x3FB7] =	sst s0;
	s0 =	simm.s32 @!p2 $0x0  }
0x16: {  	s3 =	sld [smem:$0x3FDB];
	s0 =	simm.s32 @p2 $0x1  }
0x17: {  	s4 =	simm.s32 $0x1BF5;
	[smem:$0x3FB9] =	sst s0  }
0x18: {  	s0 =	sld [smem:$0x3F9C];
	_ =	swait.ge [sflag:s4], $0x0  }
0x19: {  	s7 =	sld [smem:$0x3F9D]  }
0x1a: {  	s8 =	sadd.s32 $0xFFFFE003, lr  }
0x1b: {  	s9 =	sadd.s32 $0xFFFFFEF7, lr;
	s5 =	simm.s32 $0xFFFFFFFF;
	p2 =	slt.u32 s8, $0xFFFFF086  }
0x1c: {  	p1 =	slt.u32 s9, $0xF7A;
	s5 =	simm.s32 @!p2 $0x0  }
0x1d: {  	s5 =	simm.s32 @p1 $0x1;
	p0 =	seq.s32 s7, s2  }
0x1e: {  	s7 =	smul.u32 @!p0 $0xF7A, s2;
	p2 =	seq.s32 @!p0 s5, $0x0  }
0x1f: {  	s9 =	smul.u32 $0xF7A, s1;
	s8 =	simm.s32 @!p0 $0x1BF5;
	p2 =	por !p2, p0  }
0x20: {  	[sflag:s8] =	ssyncset.s32 @!p0 $0xFFFFF086;
	s6 =	sadd.s32 @!p0 s3, s7;
	s7 =	simm.s32 @!p0 $0x108  }
0x21: {  	s3 =	sadd.s32 s3, s9;
	s6 =	sadd.s32 @!p0 $0x88, s6;
	s7 =	simm.s32 @p2 $0x1082  }
0x22: {  	[simem:s7], [sflag:s8] =	dma.local @!p0 [hbm:s6], $0xF7A  }
0x23: {  	s9 =	sor.u32 $0xD0000000, s2;
	s6 =	simm.s32 $0x108;
	_ =	swait.ge @!p0 [sflag:s8], $0x0  }
0x24: {  	s3 =	sadd.s32 $0x88, s3;
	s6 =	simm.s32 @!p1 $0x1082;
	[sflag:s4] =	ssyncset.s32 $0xFFFFF086  }
0x25: {  	[simem:s6], [sflag:s4] =	dma.local [hbm:s3], $0xF7A  }
0x26: {  	[smem:$0x3F9D] =	sst s1;
	(tag) =	ssettag s2;
	_ =	strace s9  }
0x27: {  	s1 =	sld [smem:$0x3FAD]  }
0x28: {  	s2 =	sld [smem:$0x3FAE]  }
0x29: {  	s4 =	sld [smem:$0x3FB0]  }
0x2a: {  	p0 =	seq.s32 s5, $0x0;
	s5 =	sld [smem:$0x3FB1]  }
0x2b: {  	s6 =	sld [smem:$0x3FB2]  }
0x2c: {  	s7 =	sld [smem:$0x3FB3]  }
0x2d: {  	s3 =	simm.s32 $0x108;
	s8 =	sld [smem:$0x3FB4]  }
0x2e: {  	s3 =	simm.s32 @!p0 $0x1082;
	s9 =	sld [smem:$0x3FB5]  }
0x2f: {  	lr =	sadd.s32 s0, s3;
	s0 =	sld [smem:$0x3FAC]  }
0x30: {  	s3 =	sld [smem:$0x3FAF]  }
0x31: {  	[smem:$0x3FB8] =	sst s10  }
0x32: {  	s10 =	sld [smem:$0x3FB6];
	_ =	sdelay $0x3  }
0x33: {  	p0 =	seq.s32 s10, $0x1;
	s10 =	sld [smem:$0x3FB8];
	_ =	sdelay $0x3  }
0x34: {  	[smem:$0x3FB8] =	sst s10  }
0x35: {  	s10 =	sld [smem:$0x3FB7];
	_ =	sdelay $0x3  }
0x36: {  	p1 =	seq.s32 s10, $0x1;
	s10 =	sld [smem:$0x3FB8];
	_ =	sdelay $0x3  }
0x37: {  	[smem:$0x3FB8] =	sst s10  }
0x38: {  	s10 =	sld [smem:$0x3FB9]  }
0x39: {  	_ = 	snop;
	(pc) =	sbr.ind lr, $3  }
0x3a: {  	_ = 	snop  }
0x3b: {  	_ = 	snop  }
0x3c: {  	p2 =	seq.s32 s10, $0x1;
	s10 =	sld [smem:$0x3FB8]  }
0x3d: {  	_ =	shalt  }
0x3e: {  	_ =	shalt  }
0x3f: {  	_ =	shalt  }
0x40: {  	_ =	shalt  }
0x41: {  	_ =	shalt  }
0x42: {  	_ =	shalt  }
0x43: {  	_ =	shalt  }
0x44: {  	_ =	shalt  }
0x45: {  	_ =	shalt  }
0x46: {  	_ =	shalt  }
0x47: {  	_ =	shalt  }
0x48: {  	_ =	shalt  }
0x49: {  	_ =	shalt  }
0x4a: {  	_ =	shalt  }
0x4b: {  	_ =	shalt  }
0x4c: {  	_ =	shalt  }
0x4d: {  	_ =	shalt  }
0x4e: {  	_ =	shalt  }
0x4f: {  	_ =	shalt  }
0x50: {  	_ =	shalt  }
0x51: {  	_ =	shalt  }
0x52: {  	_ =	shalt  }
0x53: {  	_ =	shalt  }
0x54: {  	_ =	shalt  }
0x55: {  	_ =	shalt  }
0x56: {  	_ =	shalt  }
0x57: {  	_ =	shalt  }
0x58: {  	_ =	shalt  }
0x59: {  	_ =	shalt  }
0x5a: {  	_ =	shalt  }
0x5b: {  	_ =	shalt  }
0x5c: {  	_ =	shalt  }
0x5d: {  	_ =	shalt  }
0x5e: {  	_ =	shalt  }
0x5f: {  	_ =	shalt  }
0x60: {  	_ =	shalt  }
0x61: {  	_ =	shalt  }
0x62: {  	_ =	shalt  }
0x63: {  	_ =	shalt  }
0x64: {  	_ =	shalt  }
0x65: {  	_ =	shalt  }
0x66: {  	_ =	shalt  }
0x67: {  	_ =	shalt  }
0x68: {  	_ =	shalt  }
0x69: {  	_ =	shalt  }
0x6a: {  	_ =	shalt  }
0x6b: {  	_ =	shalt  }
0x6c: {  	_ =	shalt  }
0x6d: {  	_ =	shalt  }
0x6e: {  	_ =	shalt  }
0x6f: {  	_ =	shalt  }
0x70: {  	_ =	shalt  }
0x71: {  	_ =	shalt  }
0x72: {  	_ =	shalt  }
0x73: {  	_ =	shalt  }
0x74: {  	_ =	shalt  }
0x75: {  	_ =	shalt  }
0x76: {  	_ =	shalt  }
0x77: {  	_ =	shalt  }
0x78: {  	_ =	shalt  }
0x79: {  	_ =	shalt  }
0x7a: {  	_ =	shalt  }
0x7b: {  	_ =	shalt  }
0x7c: {  	_ =	shalt  }
0x7d: {  	_ =	shalt  }
0x7e: {  	_ =	shalt  }
0x7f: {  	_ =	shalt  }
0x80: {  	_ =	shalt  }
0x81: {  	_ =	shalt  }
0x82: {  	_ =	shalt  }
0x83: {  	_ =	shalt  }
0x84: {  	_ =	shalt  }
0x85: {  	_ =	shalt  }
0x86: {  	_ =	shalt  }
0x87: {  	_ =	shalt  }
.Lfunc_end0:
.L_simem_size_0:
called_computation_lowered:
.L_overlay_start_0:
0x88: {  	s2 =	sld [smem:$0x3FD9]  }
0x89: {  	s3 =	sld [smem:$0x3FFE];
	_ =	sdelay $0x1  }
0x8a: {  	s1 =	srdreg.scid  }
0x8b: {  	s0 =	sand.u32 $0x1, s1  }
0x8c: {  	s17 =	sshll.u32 s0, $0xA;
	s2 =	sadd.s32 s3, s2  }
0x8d: {  	s2 =	sadd.s32 s2, s17  }
0x8e: {  	[smem:$0x3FC4] =	sst s2  }
0x8f: {  	_ = 	snop  }
0x90: {  	s2 =	sld [smem:$0x3FD0];
	(tm) =	ssettm $0x1  }
0x91: {  	s18 =	sld [smem:$0x3FFB];
	_ =	sdelay $0x3  }
0x92: {  	_ =	strace s18  }
0x93: {  	s3 =	sld [smem:$0x3FFC];
	_ =	sdelay $0x3  }
0x94: {  	_ =	strace s3  }
0x95: {  	s3 =	sld [smem:$0x3FFD];
	_ =	sdelay $0x3  }
0x96: {  	_ =	strace s3  }
0x97: {  	_ =	strace $0x8FFFFFFF  }
0x98: {  	s19 =	sld [smem:$0x3FDB];
	_ =	sdelay $0x1  }
0x99: {  	s4 =	simm.s32 $_scs_section_size  }
0x9a: {  	s5 =	simm.s32 $_size__tile_overlayer_lowered;
	s6 =	simm.s32 $_tile_overlayer_lowered  }
0x9b: {  	s22 =	simm.s32 $0x1BFF;
	s21 =	sshll.u32 s6, $0x1;
	s3 =	sadd.s32 s4, s19  }
0x9c: {  	s7 =	simm.s32 $0x0;
	s20 =	sshll.u32 s5, $0x1;
	s5 =	sadd.s32 s21, s3  }
0x9d: {  	[timem:s7], [sflag:s22] =	dma.local [hbm:s5], s20  }
0x9e: {  	_ =	swait.ge [sflag:s22], s20  }
0x9f: {  	s4 =	ssub.s32 $0x0, s20;
	[sflag:s22] =	ssyncset.done $0x0  }
0xa0: {  	[sflag:s22] =	ssyncadd.s32 s4;
	_ =	sdelay $0x1  }
0xa1: {  	s23 =	simm.s32 $0x1B8B  }
0xa2: {  	_ =	swait.ge [sflag:s23], $0x1  }
0xa3: {  	[sflag:s23] =	ssyncset.done $0x0  }
0xa4: {  	s25 =	simm.s32 $0x1B8E;
	s24 =	sld [smem:$0x3FFE];
	[sflag:s23] =	ssyncadd.s32 $0xFFFFFFFF  }
0xa5: {  	s26 =	simm.s32 $execute0_lowered;
	[smem:$0x3FD2] =	sst s25  }
0xa6: {  	s5 =	sshll.u32 s26, $0x1;
	_ =	strace $0x80000046;
	[dreg:$0x1] =	wrdreg $0xFFFFFFFF  }
0xa7: {  	s28 =	simm.s32 $_size_execute0_lowered;
	s3 =	sadd.s32 s3, s5;
	[dreg:$0x0] =	wrdreg $0x0  }
0xa8: {  	s5 =	sshll.u32 s28, $0x1;
	[dreg:$0x2] =	wrdreg s3  }
0xa9: {  	[dreg:$0x3] =	wrdreg s5  }
0xaa: {  	[dreg:$0x4] =	wrdreg $0xC0  }
0xab: {  	_ =	task [dreg:s7], $0x5FFFF  }
0xac: {  	[dreg:$0x1] =	wrdreg $0xFFFFFFFF  }
0xad: {  	[dreg:$0x0] =	wrdreg $0x60  }
0xae: {  	[dreg:$0x2] =	wrdreg s24  }
0xaf: {  	[dreg:$0x3] =	wrdreg s2  }
0xb0: {  	[dreg:$0x4] =	wrdreg $0x9  }
0xb1: {  	_ =	task.clear_ibuf [dreg:s7], $0x5FFFF;
	_ =	strace $0x90000046  }
0xb2: {  	s29 =	simm.s32 $0x9;
	_ =	strace $0x80000048  }
0xb3: {  	_ =	swait.ge [sflag:s29], $0x1  }
0xb4: {  	[sflag:s29] =	ssyncadd.s32 $0xFFFFFFFF  }
0xb5: {  	_ =	strace $0x90000048  }
0xb6: {  	_ =	sfence  }
0xb7: {  	s30 =	sld [smem:$0x0];
	_ =	sdelay $0x2  }
0xb8: {  	s31 =	sshll.u32 s1, $0xD;
	s1 =	sshrl.u32 s1, $0x2  }
0xb9: {  	s3 =	sand.u32 $0x4000, s31;
	s1 =	sadd.s32 s1, s30  }
0xba: {  	s0 =	sor.u32 s3, s0;
	s1 =	sshll.u32 s1, $0x11  }
0xbb: {  	s0 =	sor.u32 s1, s0  }
0xbc: {  	s0 =	sadd.s32 $0x8F2B, s0  }
0xbd: {  	[sflag:s0] =	ssyncadd.remote.s32 $0x1  }
0xbe: {  	_ =	sfence.sel $0xFFFF  }
0xbf: {  	[dreg:$0x0] =	wrdreg $0xFFFFFFFF;
	(pc) =	sbr.abs _section_cstart, $3  }
0xc0: {  	[dreg:$0x1] =	wrdreg $0xFFFFFFFF  }
0xc1: {  	_ =	task.clear_ibuf [dreg:s7], $0x2FFFF;
	_ =	strace $0x9FFFFFFF  }
0xc2: {  	(tm) =	ssettm $0x7FFFFFFF  }
0xc3: {  	_ =	shalt  }
tec
execute0_lowered:
.L_overlay_start_1:
0x0: {  	(tag) =	ssettag $0x1  }
0x1: {  	s0 =	rddreg [dreg:$0x0]  }
0x2: {  	s1 =	rddreg [dreg:$0x1];
	s8 =	simm.s32 $0x0;
	s2 =	srdreg.scid  }
0x3: {  	s4 =	stileid.u32;
	s10 =	simm.s32 $0x2;
	s11 =	simm.s32 $0x80  }
0x4: {  	s12 =	simm.s32 $0x700;
	s13 =	simm.s32 $0x1380;
	s14 =	simm.s32 $0x780  }
0x5: {  	s15 =	simm.s32 $0x1400;
	s16 =	simm.s32 $0x800;
	s17 =	simm.s32 $0x1480  }
0x6: {  	s18 =	simm.s32 $0x880;
	s19 =	simm.s32 $0x1500;
	[smem:$0x7FF] =	sst s8  }
0x7: {  	v0 =	vimm.f32 $1.000000000e+04;
	s20 =	simm.s32 $0x900;
	s21 =	simm.s32 $0x1580;
	_ =	strace $0x80000047  }
0x8: {  	s22 =	simm.s32 $0x980;
	s23 =	simm.s32 $0x1600;
	s24 =	simm.s32 $0xA00;
	(erf) = vrcp.f32 v0  }
0x9: {  	s28 =	simm.s32 $0x1700;
	s29 =	simm.s32 $0xB00;
	s30 =	simm.s32 $0x1780  }
0xa: {  	s31 =	simm.s32 $0xB80;
	s9 =	simm.s32 $0x1880;
	s2 =	sand.u32 $0x1, s2  }
0xb: {  	s3 =	sadd.s32 $0x1262800, s0;
	s6 =	sshll.u32 s4, $0x1;
	s4 =	sadd.s32 $0x400, s0  }
0xc: {  	s0 =	sadd.s32 $0x1EE00, s0;
	s5 =	ssub.s32 $0x2, s2;
	s2 =	sor.u32 s2, s6  }
0xd: {  	[dreg:$0x3] =	wrdreg s0;
	s7 =	sshrl.u32 s5, $0x1;
	s26 =	sshll.u32 s2, $0x6  }
0xe: {  	s6 =	smul.u32 $0x19000, s2;
	s2 =	simm.s32 $0x1;
	s25 =	ssub.s32 s5, s7  }
0xf: {  	s1 =	sadd.s32 s1, s26;
	s26 =	simm.s32 $0xA80;
	s7 =	simm.s32 $0x0  }
0x10: {  	[dreg:$0x4] =	wrdreg s1;
	s0 =	smax.u32 s25, $0x1;
	s25 =	simm.s32 $0x1680  }
0x11: {  	s1 =	simm.s32 $0xC00;
	[dreg:$0x5] =	wrdreg s0;
	s0 =	simm.s32 $0x1800;
	v0 =	vpop (erf)  }
.LBB2_1:
0x12: {  	[dreg:$0x6] =	wrdreg s7  }
0x13: {  	s5 =	rddreg [dreg:$0x3];
	s7 =	simm.s32 $0x1900  }
0x14: {  	[tilespmem:s7], [sflag:$0x2] =	stream.linear.gather [hbm4b:s5+s8], $0x80, $0x38;
	[tilespmem:$0x1B80] =	vst v63  }
0x15: {  	_ =	swait.ge [sflag:s10], $0x80  }
0x16: {  	[sflag:s10] =	ssyncset.done $0x0  }
0x17: {  	[sflag:s10] =	ssyncadd.s32 $0xFFFFFF80  }
0x18: {  	s5 =	simm.s32 $0x0;
	v1 =	vld [tilespmem:$0x1900]  }
.LBB2_2:
0x19: {  	s7 =	smul.u32 $0xC80, s5;
	_ =	sdelay $0x1  }
0x1a: {  	s7 =	sadd.s32 s6, s7  }
0x1b: {  	s7 =	sshrl.u32 s7, $0x3  }
0x1c: {  	s8 =	simm.s32 $0x0;
	s7 =	sadd.s32 s3, s7  }
0x1d: {  	[tilespmem:s8], [sflag:$0x2] =	stream.linear.gather [hbm4b:s7+s8], $0xC80, $0x38;
	[tilespmem:$0x1B80] =	vst v63  }
0x1e: {  	_ =	swait.ge [sflag:s10], $0xC80  }
0x1f: {  	[sflag:s10] =	ssyncset.done $0x0  }
0x20: {  	s7 =	simm.s32 $0xC80;
	[sflag:s10] =	ssyncadd.s32 $0xFFFFF380  }
0x21: {  	[tilespmem:s7], [sflag:$0x1] =	stream.indirect.gather [hbm4b:s4+s11], $0x1, s8, s11, $0xb8;
	[tilespmem:$0x1B80] =	vst v63  }
0x22: {  	s8 =	simm.s32 $0xD00  }
0x23: {  	[tilespmem:s8], [sflag:$0x1] =	stream.indirect.gather [hbm4b:s4+s11], $0x1, s11, s11, $0xb8;
	[tilespmem:$0x1B80] =	vst v63  }
0x24: {  	s7 =	simm.s32 $0x100;
	s8 =	simm.s32 $0xD80  }
0x25: {  	[tilespmem:s8], [sflag:$0x1] =	stream.indirect.gather [hbm4b:s4+s11], $0x1, s7, s11, $0xb8;
	[tilespmem:$0x1B80] =	vst v63  }
0x26: {  	s7 =	simm.s32 $0x180;
	s8 =	simm.s32 $0xE00  }
0x27: {  	[tilespmem:s8], [sflag:$0x1] =	stream.indirect.gather [hbm4b:s4+s11], $0x1, s7, s11, $0xb8;
	[tilespmem:$0x1B80] =	vst v63  }
0x28: {  	s7 =	simm.s32 $0x200;
	s8 =	simm.s32 $0xE80  }
0x29: {  	[tilespmem:s8], [sflag:$0x1] =	stream.indirect.gather [hbm4b:s4+s11], $0x1, s7, s11, $0xb8;
	[tilespmem:$0x1B80] =	vst v63  }
0x2a: {  	s7 =	simm.s32 $0x280;
	s8 =	simm.s32 $0xF00  }
0x2b: {  	[tilespmem:s8], [sflag:$0x1] =	stream.indirect.gather [hbm4b:s4+s11], $0x1, s7, s11, $0xb8;
	[tilespmem:$0x1B80] =	vst v63  }
0x2c: {  	s7 =	simm.s32 $0x300;
	s8 =	simm.s32 $0xF80  }
0x2d: {  	[tilespmem:s8], [sflag:$0x1] =	stream.indirect.gather [hbm4b:s4+s11], $0x1, s7, s11, $0xb8;
	[tilespmem:$0x1B80] =	vst v63  }
0x2e: {  	s7 =	simm.s32 $0x380;
	s8 =	simm.s32 $0x1000  }
0x2f: {  	[tilespmem:s8], [sflag:$0x1] =	stream.indirect.gather [hbm4b:s4+s11], $0x1, s7, s11, $0xb8;
	[tilespmem:$0x1B80] =	vst v63  }
0x30: {  	s7 =	simm.s32 $0x400;
	s8 =	simm.s32 $0x1080  }
0x31: {  	[tilespmem:s8], [sflag:$0x1] =	stream.indirect.gather [hbm4b:s4+s11], $0x1, s7, s11, $0xb8;
	[tilespmem:$0x1B80] =	vst v63  }
0x32: {  	s7 =	simm.s32 $0x480;
	s8 =	simm.s32 $0x1100  }
0x33: {  	[tilespmem:s8], [sflag:$0x1] =	stream.indirect.gather [hbm4b:s4+s11], $0x1, s7, s11, $0xb8;
	[tilespmem:$0x1B80] =	vst v63  }
0x34: {  	s7 =	simm.s32 $0x500;
	s8 =	simm.s32 $0x1180  }
0x35: {  	[tilespmem:s8], [sflag:$0x1] =	stream.indirect.gather [hbm4b:s4+s11], $0x1, s7, s11, $0xb8;
	[tilespmem:$0x1B80] =	vst v63  }
0x36: {  	s7 =	simm.s32 $0x580;
	s8 =	simm.s32 $0x1200  }
0x37: {  	[tilespmem:s8], [sflag:$0x1] =	stream.indirect.gather [hbm4b:s4+s11], $0x1, s7, s11, $0xb8;
	[tilespmem:$0x1B80] =	vst v63  }
0x38: {  	s7 =	simm.s32 $0x600;
	s8 =	simm.s32 $0x1280  }
0x39: {  	[tilespmem:s8], [sflag:$0x1] =	stream.indirect.gather [hbm4b:s4+s11], $0x1, s7, s11, $0xb8;
	[tilespmem:$0x1B80] =	vst v63  }
0x3a: {  	s7 =	simm.s32 $0x680;
	s8 =	simm.s32 $0x1300  }
0x3b: {  	[tilespmem:s8], [sflag:$0x1] =	stream.indirect.gather [hbm4b:s4+s11], $0x1, s7, s11, $0xb8;
	[tilespmem:$0x1B80] =	vst v63  }
0x3c: {  	_ = 	snop  }
0x3d: {  	[tilespmem:s13], [sflag:$0x1] =	stream.indirect.gather [hbm4b:s4+s11], $0x1, s12, s11, $0xb8;
	[tilespmem:$0x1B80] =	vst v63  }
0x3e: {  	_ = 	snop  }
0x3f: {  	[tilespmem:s15], [sflag:$0x1] =	stream.indirect.gather [hbm4b:s4+s11], $0x1, s14, s11, $0xb8;
	[tilespmem:$0x1B80] =	vst v63  }
0x40: {  	_ = 	snop  }
0x41: {  	[tilespmem:s17], [sflag:$0x1] =	stream.indirect.gather [hbm4b:s4+s11], $0x1, s16, s11, $0xb8;
	[tilespmem:$0x1B80] =	vst v63  }
0x42: {  	_ = 	snop  }
0x43: {  	[tilespmem:s19], [sflag:$0x1] =	stream.indirect.gather [hbm4b:s4+s11], $0x1, s18, s11, $0xb8;
	[tilespmem:$0x1B80] =	vst v63  }
0x44: {  	_ = 	snop  }
0x45: {  	[tilespmem:s21], [sflag:$0x1] =	stream.indirect.gather [hbm4b:s4+s11], $0x1, s20, s11, $0xb8;
	[tilespmem:$0x1B80] =	vst v63  }
0x46: {  	_ = 	snop  }
0x47: {  	[tilespmem:s23], [sflag:$0x1] =	stream.indirect.gather [hbm4b:s4+s11], $0x1, s22, s11, $0xb8;
	[tilespmem:$0x1B80] =	vst v63  }
0x48: {  	_ = 	snop  }
0x49: {  	[tilespmem:s25], [sflag:$0x1] =	stream.indirect.gather [hbm4b:s4+s11], $0x1, s24, s11, $0xb8;
	[tilespmem:$0x1B80] =	vst v63  }
0x4a: {  	_ = 	snop  }
0x4b: {  	[tilespmem:s28], [sflag:$0x1] =	stream.indirect.gather [hbm4b:s4+s11], $0x1, s26, s11, $0xb8;
	[tilespmem:$0x1B80] =	vst v63  }
0x4c: {  	_ = 	snop  }
0x4d: {  	[tilespmem:s30], [sflag:$0x1] =	stream.indirect.gather [hbm4b:s4+s11], $0x1, s29, s11, $0xb8;
	[tilespmem:$0x1B80] =	vst v63  }
0x4e: {  	_ = 	snop  }
0x4f: {  	[tilespmem:s0], [sflag:$0x1] =	stream.indirect.gather [hbm4b:s4+s11], $0x1, s31, s11, $0xb8;
	[tilespmem:$0x1B80] =	vst v63  }
0x50: {  	_ = 	snop  }
0x51: {  	[tilespmem:s9], [sflag:$0x1] =	stream.indirect.gather [hbm4b:s4+s11], $0x1, s1, s11, $0xb8;
	[tilespmem:$0x1B80] =	vst v63  }
0x52: {  	_ =	swait.ge [sflag:s2], $0x80  }
0x53: {  	[sflag:s2] =	ssyncset.done $0x0  }
0x54: {  	[sflag:s2] =	ssyncadd.s32 $0xFFFFFF80  }
0x55: {  	_ =	swait.ge [sflag:s2], $0x80  }
0x56: {  	[sflag:s2] =	ssyncset.done $0x0  }
0x57: {  	[sflag:s2] =	ssyncadd.s32 $0xFFFFFF80  }
0x58: {  	_ =	swait.ge [sflag:s2], $0x80  }
0x59: {  	[sflag:s2] =	ssyncset.done $0x0  }
0x5a: {  	[sflag:s2] =	ssyncadd.s32 $0xFFFFFF80  }
0x5b: {  	_ =	swait.ge [sflag:s2], $0x80  }
0x5c: {  	[sflag:s2] =	ssyncset.done $0x0  }
0x5d: {  	[sflag:s2] =	ssyncadd.s32 $0xFFFFFF80  }
0x5e: {  	_ =	swait.ge [sflag:s2], $0x80  }
0x5f: {  	[sflag:s2] =	ssyncset.done $0x0  }
0x60: {  	[sflag:s2] =	ssyncadd.s32 $0xFFFFFF80  }
0x61: {  	_ =	swait.ge [sflag:s2], $0x80  }
0x62: {  	[sflag:s2] =	ssyncset.done $0x0  }
0x63: {  	[sflag:s2] =	ssyncadd.s32 $0xFFFFFF80  }
0x64: {  	_ =	swait.ge [sflag:s2], $0x80  }
0x65: {  	[sflag:s2] =	ssyncset.done $0x0  }
0x66: {  	[sflag:s2] =	ssyncadd.s32 $0xFFFFFF80  }
0x67: {  	_ =	swait.ge [sflag:s2], $0x80  }
0x68: {  	[sflag:s2] =	ssyncset.done $0x0  }
0x69: {  	[sflag:s2] =	ssyncadd.s32 $0xFFFFFF80  }
0x6a: {  	_ =	swait.ge [sflag:s2], $0x80  }
0x6b: {  	[sflag:s2] =	ssyncset.done $0x0  }
0x6c: {  	[sflag:s2] =	ssyncadd.s32 $0xFFFFFF80  }
0x6d: {  	_ =	swait.ge [sflag:s2], $0x80  }
0x6e: {  	[sflag:s2] =	ssyncset.done $0x0  }
0x6f: {  	[sflag:s2] =	ssyncadd.s32 $0xFFFFFF80  }
0x70: {  	_ =	swait.ge [sflag:s2], $0x80  }
0x71: {  	[sflag:s2] =	ssyncset.done $0x0  }
0x72: {  	[sflag:s2] =	ssyncadd.s32 $0xFFFFFF80  }
0x73: {  	_ =	swait.ge [sflag:s2], $0x80  }
0x74: {  	[sflag:s2] =	ssyncset.done $0x0  }
0x75: {  	[sflag:s2] =	ssyncadd.s32 $0xFFFFFF80  }
0x76: {  	_ =	swait.ge [sflag:s2], $0x80  }
0x77: {  	[sflag:s2] =	ssyncset.done $0x0  }
0x78: {  	[sflag:s2] =	ssyncadd.s32 $0xFFFFFF80  }
0x79: {  	_ =	swait.ge [sflag:s2], $0x80  }
0x7a: {  	[sflag:s2] =	ssyncset.done $0x0  }
0x7b: {  	[sflag:s2] =	ssyncadd.s32 $0xFFFFFF80  }
0x7c: {  	_ =	swait.ge [sflag:s2], $0x80  }
0x7d: {  	[sflag:s2] =	ssyncset.done $0x0  }
0x7e: {  	[sflag:s2] =	ssyncadd.s32 $0xFFFFFF80  }
0x7f: {  	_ =	swait.ge [sflag:s2], $0x80  }
0x80: {  	[sflag:s2] =	ssyncset.done $0x0  }
0x81: {  	[sflag:s2] =	ssyncadd.s32 $0xFFFFFF80  }
0x82: {  	_ =	swait.ge [sflag:s2], $0x80  }
0x83: {  	[sflag:s2] =	ssyncset.done $0x0  }
0x84: {  	[sflag:s2] =	ssyncadd.s32 $0xFFFFFF80  }
0x85: {  	_ =	swait.ge [sflag:s2], $0x80  }
0x86: {  	[sflag:s2] =	ssyncset.done $0x0  }
0x87: {  	[sflag:s2] =	ssyncadd.s32 $0xFFFFFF80  }
0x88: {  	_ =	swait.ge [sflag:s2], $0x80  }
0x89: {  	[sflag:s2] =	ssyncset.done $0x0  }
0x8a: {  	[sflag:s2] =	ssyncadd.s32 $0xFFFFFF80  }
0x8b: {  	_ =	swait.ge [sflag:s2], $0x80  }
0x8c: {  	[sflag:s2] =	ssyncset.done $0x0  }
0x8d: {  	[sflag:s2] =	ssyncadd.s32 $0xFFFFFF80  }
0x8e: {  	_ =	swait.ge [sflag:s2], $0x80  }
0x8f: {  	[sflag:s2] =	ssyncset.done $0x0  }
0x90: {  	[sflag:s2] =	ssyncadd.s32 $0xFFFFFF80  }
0x91: {  	_ =	swait.ge [sflag:s2], $0x80  }
0x92: {  	[sflag:s2] =	ssyncset.done $0x0  }
0x93: {  	[sflag:s2] =	ssyncadd.s32 $0xFFFFFF80  }
0x94: {  	_ =	swait.ge [sflag:s2], $0x80  }
0x95: {  	[sflag:s2] =	ssyncset.done $0x0  }
0x96: {  	[sflag:s2] =	ssyncadd.s32 $0xFFFFFF80  }
0x97: {  	_ =	swait.ge [sflag:s2], $0x80  }
0x98: {  	[sflag:s2] =	ssyncset.done $0x0  }
0x99: {  	[sflag:s2] =	ssyncadd.s32 $0xFFFFFF80  }
0x9a: {  	_ =	swait.ge [sflag:s2], $0x80  }
0x9b: {  	[sflag:s2] =	ssyncset.done $0x0  }
0x9c: {  	s7 =	simm.s32 $0x0;
	[sflag:s2] =	ssyncadd.s32 $0xFFFFFF80  }
0x9d: {  	v3 =	vld [tilespmem:s7+$0xCC0]  }
0x9e: {  	v2 =	vld [tilespmem:s7+$0xCD0]  }
0x9f: {  	v4 =	vld [tilespmem:s7+$0xC80]  }
0xa0: {  	v7 =	vimm.f32 $0.0e+00;
	v5 =	vld [tilespmem:s7+$0xC90]  }
0xa1: {  	v8 =	vimm.f32 $0.0e+00;
	v9 =	vimm.f32 $0.0e+00;
	v10 =	vimm.f32 $0.0e+00;
	s8 =	simm.s32 $0x200;
	v6 =	vld [tilespmem:s7+$0xCA0]  }
.LBB2_3:
0xa2: {  	p0 =	sne.s32 s8, $0x3000;
	v11 =	vld [tilespmem:s7+$0xCB0];
	v12 =	vmov v3  }
0xa3: {  	v13 =	vld [tilespmem:s7+$0xCE0];
	v14 =	vmov v2  }
0xa4: {  	v15 =	vld [tilespmem:s7+$0xCF0];
	s7 =	sshra.s32 s8, $0x2  }
.Ltmp0:
0xa5: {  	v3 =	vld [tilespmem:s7+$0xCC0];
	(pc) =	sbr.rel @p0 .LBB2_3-.Ltmp0, $4  }
0xa6: {  	v7 =	vadd.f32 v4, v7;
	v8 =	vadd.f32 v5, v8;
	v2 =	vld [tilespmem:s7+$0xCD0]  }
0xa7: {  	v9 =	vadd.f32 v6, v9;
	v4 =	vld [tilespmem:s7+$0xC80];
	v10 =	vadd.f32 v11, v10  }
0xa8: {  	v7 =	vadd.f32 v12, v7;
	v8 =	vadd.f32 v14, v8;
	v5 =	vld [tilespmem:s7+$0xC90]  }
0xa9: {  	s8 =	sadd.s32 $0x200, s8;
	v9 =	vadd.f32 v13, v9;
	v6 =	vld [tilespmem:s7+$0xCA0];
	v10 =	vadd.f32 v15, v10  }
0xaa: {  	v11 =	vld [tilespmem:s7+$0xCB0]  }
0xab: {  	v12 =	vld [tilespmem:s7+$0xCE0]  }
0xac: {  	v13 =	vld [tilespmem:s7+$0xCF0];
	_ =	sdelay $0x1  }
0xad: {  	v4 =	vadd.f32 v4, v7;
	v5 =	vadd.f32 v5, v8  }
0xae: {  	v6 =	vadd.f32 v6, v9;
	v61 =	vadd.f32 v11, v10  }
0xaf: {  	v3 =	vadd.f32 v3, v4;
	v2 =	vadd.f32 v2, v5  }
0xb0: {  	v62 =	vadd.f32 v12, v6;
	v63 =	vadd.f32 v13, v61;
	_ =	sdelay $0x1  }
0xb1: {  	v2 =	vadd.f32 v2, v3;
	v3 =	vadd.f32 v63, v62;
	_ =	sdelay $0x1  }
0xb2: {  	v2 =	vadd.f32 v3, v2;
	_ =	sdelay $0x1  }
0xb3: {  	v2 =	vmul.f32 $4.999999890e-03, v2;
	_ =	sdelay $0x1  }
0xb4: {  	v2 =	vadd.f32 v2, v1;
	_ =	sdelay $0x1  }
0xb5: {  	v2 =	vsub.f32 $0.0e+00, v2;
	_ =	sdelay $0x1  }
0xb6: {  	v2 =	vmul.f32 $1.442695020e+00, v2;
	_ =	sdelay $0x1  }
0xb7: {  	(erf) = vpow2.f32 v2;
	_ =	sdelay $0x8  }
0xb8: {  	v2 =	vpop (erf)  }
0xb9: {  	v2 =	vadd.f32 $1.000000000e+00, v2;
	_ =	sdelay $0x1  }
0xba: {  	(erf) = vrcp.f32 v2;
	_ =	sdelay $0x8  }
0xbb: {  	v2 =	vpop (erf)  }
0xbc: {  	v2 =	vmul.f32 $1.000000000e+04, v2;
	_ =	sdelay $0x1  }
0xbd: {  	s8 =	sshll.u32 s5, $0x4;
	s5 =	sadd.s32 $0x1, s5;
	v2 =	vadd.f32 $8.388608000e+06, v2  }
0xbe: {  	p0 =	sne.s32 s5, $0x20  }
.Ltmp1:
0xbf: {  	v2 =	vadd.f32 $-8.388608000e+06, v2;
	(pc) =	sbr.rel @p0 .LBB2_2-.Ltmp1, $4  }
0xc0: {  	_ = 	snop  }
0xc1: {  	v2 =	vmul.f32 v2, v0  }
0xc2: {  	s7 =	sand.u32 $0x3FFFFFF0, s8  }
0xc3: {  	[tilespmem:s7+$0x1980] =	vst v2  }
0xc4: {  	s8 =	simm.s32 $0x0;
	s5 =	rddreg [dreg:$0x4];
	s7 =	simm.s32 $0x1980  }
0xc5: {  	[hbm4b:s5+s8] =	stream.linear.scatter [tilespmem:s7], [sflag:$0x2], $0x200, $0x38;
	[tilespmem:$0x1B80] =	vst v63  }
0xc6: {  	_ =	swait.ge [sflag:s10], $0x200  }
0xc7: {  	s5 =	rddreg [dreg:$0x6]  }
0xc8: {  	s7 =	sadd.s32 $0x1, s5;
	s5 =	rddreg [dreg:$0x5]  }
0xc9: {  	p0 =	sne.s32 s7, s5  }
.Ltmp2:
0xca: {  	_ = 	snop;
	(pc) =	sbr.rel @p0 .LBB2_1-.Ltmp2, $3  }
0xcb: {  	_ =	sdelay $0x1  }
0xcc: {  	[sflag:s10] =	ssyncset.done $0x0  }
0xcd: {  	[sflag:s10] =	ssyncadd.s32 $0xFFFFFE00  }
0xce: {  	_ =	sfence.sel $0x180000  }
0xcf: {  	[bflag:$0x0] =	sbarrier.arrive $0xFFFF  }
0xd0: {  	_ =	strace $0x90000047  }
0xd1: {  	s0 =	stileid.u32;
	[bflag:$0x2] =	sbarrier.arrive $0xFFFF  }
0xd2: {  	p0 =	sne.s32 s0, $0x0;
	s0 =	rddreg [dreg:$0x2]  }
0xd3: {  	s0 =	sadd.s32 @!p0 $0x100000, s0  }
0xd4: {  	[sflag:s0] =	ssyncadd.tile.s32 @!p0 $0x1;
	_ =	shalt  }
.Lfunc_end2:
_tile_overlayer_lowered:
.L_overlay_start_2:
0xd5: {  	(tag) =	ssettag $0x2  }
0xd6: {  	s0 =	rddreg [dreg:$0x0];
	s2 =	stileid.u32  }
0xd7: {  	s1 =	rddreg [dreg:$0x1];
	p0 =	sne.s32 s2, $0x0  }
0xd8: {  	s3 =	rddreg [dreg:$0x2];
	[bflag:$0x3] =	sbarrier.arrive $0xFFFF;
	s2 =	simm.s32 @!p0 $0x1C02  }
0xd9: {  	[timem:s3], [sflag:s2] =	dma.local @!p0 [hbm:s0], s1  }
0xda: {  	s0 =	simm.s32 @!p0 $0x2  }
0xdb: {  	_ =	swait.ge @!p0 [sflag:s0], s1  }
0xdc: {  	s1 =	ssub.s32 @!p0 $0x0, s1;
	[sflag:s0] =	ssyncset.done @!p0 $0x0  }
0xdd: {  	[sflag:s0] =	ssyncadd.s32 @!p0 s1  }
0xde: {  	[bflag:$0x3] =	sbarrier.arrive $0xFFFF  }
0xdf: {  	_ =	shalt  }

</sc_bundles>
